<compile_context>
chip_gen: v7x
topology: tpu7x:2x2x1
jax: 0.10.2.dev20260603
libtpu: 0.0.44.dev20260713+nightly
codegen_flags: <defaults>
</compile_context>

<pallas_src>
import functools

import jax
import jax.numpy as jnp
from jax import lax
from jax.experimental import pallas as pl
from jax.experimental.pallas import tpu as pltpu
from jax.experimental.pallas import tpu_sc as plsc

N = 10000
E = 160000
D = 256
H = 128
NC, NS, L = 2, 16, 16
NPAD = 10240

K1 = 40
C1 = (E // (NC * NS)) // K1
K3 = 80
C3 = (E // NS) // K3

NPZ = 10112
TPT = NPZ // NS

_mesh = plsc.VectorSubcoreMesh(
    core_axis_name="c", subcore_axis_name="s", num_cores=NC, num_subcores=NS)


def _fill_zeros_1d(ref, n):
    def body(i, _):
        ref[pl.ds(i * L, L)] = jnp.zeros((L,), jnp.float32)
        return 0
    lax.fori_loop(0, n // L, body, 0)


@functools.partial(
    pl.kernel,
    out_type=(jax.ShapeDtypeStruct((NPAD,), jnp.float32),
              jax.ShapeDtypeStruct((NPAD,), jnp.float32)),
    mesh=_mesh,
    scratch_types=(
        pltpu.VMEM((C1, K1), jnp.int32),
        pltpu.VMEM((48,), jnp.float32),
        pltpu.VMEM((640,), jnp.float32),
        pltpu.VMEM_SHARED((NPAD,), jnp.float32),
    ),
)
def _deg_kernel(col_hbm, d0_hbm, d1_hbm, idx_v, ones_v, buf_v, deg_sh):
    c = lax.axis_index("c")
    s = lax.axis_index("s")
    w = c * NS + s

    def fill_ones(i, _):
        ones_v[pl.ds(i * L, L)] = jnp.ones((L,), jnp.float32)
        return 0
    lax.fori_loop(0, 48 // L, fill_ones, 0)
    _fill_zeros_1d(buf_v, 640)
    pltpu.sync_copy(buf_v, deg_sh.at[pl.ds(s * 640, 640)])
    plsc.subcore_barrier()

    pltpu.sync_copy(col_hbm.at[w], idx_v)

    def step(j, _):
        pltpu.sync_copy(ones_v.at[pl.ds(0, K1)], deg_sh.at[idx_v.at[j]],
                        add=True)
        return 0
    lax.fori_loop(0, C1, step, 0)
    plsc.subcore_barrier()

    pltpu.sync_copy(deg_sh.at[pl.ds(s * 640, 640)], buf_v)

    @pl.when(c == 0)
    def _():
        pltpu.sync_copy(buf_v, d0_hbm.at[pl.ds(s * 640, 640)])

    @pl.when(c == 1)
    def _():
        pltpu.sync_copy(buf_v, d1_hbm.at[pl.ds(s * 640, 640)])


def _scale_body(d0_ref, d1_ref, x_ref, y0_ref, y1_ref):
    deg = d0_ref[...] + d1_ref[...] + 1.0
    dinv = lax.rsqrt(deg)
    y = x_ref[...] * dinv
    y0_ref[...] = y[:, :H]
    y1_ref[...] = y[:, H:]


_R2 = 2000

_scale_call = pl.pallas_call(
    _scale_body,
    grid=(N // _R2,),
    in_specs=[
        pl.BlockSpec((_R2, 1), lambda i: (i, 0)),
        pl.BlockSpec((_R2, 1), lambda i: (i, 0)),
        pl.BlockSpec((_R2, D), lambda i: (i, 0)),
    ],
    out_specs=[
        pl.BlockSpec((_R2, H), lambda i: (i, 0)),
        pl.BlockSpec((_R2, H), lambda i: (i, 0)),
    ],
    out_shape=[jax.ShapeDtypeStruct((N, H), jnp.float32),
               jax.ShapeDtypeStruct((N, H), jnp.float32)],
)


@functools.partial(
    pl.kernel,
    out_type=(jax.ShapeDtypeStruct((NPZ, H), jnp.float32),
              jax.ShapeDtypeStruct((NPZ, H), jnp.float32)),
    mesh=_mesh,
    scratch_types=(
        pltpu.VMEM((C3, K3), jnp.int32),
        pltpu.VMEM((C3, K3), jnp.int32),
        pltpu.VMEM((K3, H), jnp.float32),
        pltpu.VMEM_SHARED((NPZ, H), jnp.float32),
        pltpu.SemaphoreType.DMA,
    ),
)
def _edge_kernel(row_hbm, col_hbm, y0_hbm, y1_hbm, z0_hbm, z1_hbm,
                 idxr_v, idxc_v, gbuf_v, z_sh, sem):
    c = lax.axis_index("c")
    s = lax.axis_index("s")

    def zfill(r, _):
        def zfill_c(k, _):
            gbuf_v[r, pl.ds(k * L, L)] = jnp.zeros((L,), jnp.float32)
            return 0
        lax.fori_loop(0, H // L, zfill_c, 0)
        return 0
    lax.fori_loop(0, K3, zfill, 0)

    def zinit(j, _):
        pltpu.sync_copy(gbuf_v, z_sh.at[pl.ds(s * TPT + j * K3, K3), :])
        return 0
    lax.fori_loop(0, TPT // K3, zinit, 0)
    pltpu.sync_copy(gbuf_v.at[pl.ds(0, TPT % K3)],
                    z_sh.at[pl.ds(s * TPT + (TPT // K3) * K3, TPT % K3), :])
    plsc.subcore_barrier()

    pltpu.sync_copy(row_hbm.at[s], idxr_v)
    pltpu.sync_copy(col_hbm.at[s], idxc_v)

    def run(y_hbm, z_hbm):
        def step(j, _):
            pltpu.async_copy(y_hbm.at[idxr_v.at[j]], gbuf_v, sem).wait()
            pltpu.sync_copy(gbuf_v, z_sh.at[idxc_v.at[j]], add=True)
            return 0
        lax.fori_loop(0, C3, step, 0)
        plsc.subcore_barrier()

        def drain_chunk(r0, nr):
            pltpu.sync_copy(z_sh.at[pl.ds(s * TPT + r0, nr), :],
                            gbuf_v.at[pl.ds(0, nr)])
            pltpu.sync_copy(gbuf_v.at[pl.ds(0, nr)],
                            z_hbm.at[pl.ds(s * TPT + r0, nr), :])

        def drain(j, _):
            drain_chunk(j * K3, K3)
            return 0
        lax.fori_loop(0, TPT // K3, drain, 0)
        drain_chunk((TPT // K3) * K3, TPT % K3)

    @pl.when(c == 0)
    def _():
        run(y0_hbm, z0_hbm)

    @pl.when(c == 1)
    def _():
        run(y1_hbm, z1_hbm)


def _final_body(d0_ref, d1_ref, x_ref, z0_ref, z1_ref, o_ref):
    deg = d0_ref[...] + d1_ref[...] + 1.0
    dinv = lax.rsqrt(deg)
    x = x_ref[...]
    z = jnp.concatenate([z0_ref[...], z1_ref[...]], axis=1)
    o_ref[...] = 0.5 * (x + dinv * z + (dinv * dinv) * x)


_final_call = pl.pallas_call(
    _final_body,
    grid=(N // _R2,),
    in_specs=[
        pl.BlockSpec((_R2, 1), lambda i: (i, 0)),
        pl.BlockSpec((_R2, 1), lambda i: (i, 0)),
        pl.BlockSpec((_R2, D), lambda i: (i, 0)),
        pl.BlockSpec((_R2, H), lambda i: (i, 0)),
        pl.BlockSpec((_R2, H), lambda i: (i, 0)),
    ],
    out_specs=pl.BlockSpec((_R2, D), lambda i: (i, 0)),
    out_shape=jax.ShapeDtypeStruct((N, D), jnp.float32),
)


def kernel(x, edge_index):
    row = edge_index[0]
    col = edge_index[1]
    d0, d1 = _deg_kernel(col.reshape(NC * NS, C1, K1))
    d0c = d0[:N, None]
    d1c = d1[:N, None]
    y0, y1 = _scale_call(d0c, d1c, x)
    z0, z1 = _edge_kernel(row.reshape(NS, C3, K3), col.reshape(NS, C3, K3),
                          y0, y1)
    return _final_call(d0c, d1c, x, z0[:N], z1[:N])

# --- scband reference (transcript-rebuilt; emitter-appended) ---
"""Pipeline reference for scband-group-graph-23759759082207 (READ-ONLY COPY).

The authoritative reference and input builder live on the scoring server;
editing this copy changes nothing except your own understanding.
"""

import jax, jax.numpy as jnp
import numpy as np

N_NODES = 10000
N_EDGES = 160000
D_FEAT = 256


def setup_inputs(seed: int = 0) -> dict:
    key = jax.random.key(seed)
    k1, k2 = jax.random.split(key)
    x = jax.random.normal(k1, (N_NODES, D_FEAT), dtype=jnp.float32)
    edge_index = jax.random.randint(k2, (2, N_EDGES), 0, N_NODES, dtype=jnp.int32)
    return {"x": x, "edge_index": edge_index}


def _lightgcn_conv(x, edge_index):
    # LightGCNConv.forward: add_self_loops -> symmetric degree norm -> scatter-add propagate
    N = x.shape[0]
    loops = jnp.arange(N, dtype=edge_index.dtype)
    ei = jnp.concatenate([edge_index, jnp.stack([loops, loops], axis=0)], axis=1)
    row, col = ei[0], ei[1]  # PyG convention: row = source (j), col = target (i)
    deg = jnp.zeros((N,), dtype=x.dtype).at[col].add(1.0)  # degree(col, N)
    deg_inv_sqrt = deg ** (-0.5)  # self-loops guarantee deg >= 1
    norm = deg_inv_sqrt[row] * deg_inv_sqrt[col]
    # message: norm.view(-1,1) * x_j ; aggr='add' at target nodes
    msgs = norm[:, None] * jnp.take(x, row, axis=0)
    out = jnp.zeros_like(x).at[col].add(msgs)
    return out


def reference(x, edge_index):
    # LightGCN(hidden_size, num_layers=1).forward:
    # all_embeddings = [x, conv(x)]; return mean over layer dim.
    # (Core message-passing path of GroupGraph, alternative==2, use_self_loops=True;
    #  dropout treated as identity / eval mode.)
    h = _lightgcn_conv(x, edge_index)
    return (x + h) / 2.0

if __name__ == "__main__":
    import jax
    _d = setup_inputs()
    print(jax.jit(kernel)(*tuple(_d.values())))

</pallas_src>

<mosaic_0001>
#map = affine_map<(d0, d1) -> (0, 0, 0)>
#map1 = affine_map<(d0, d1) -> (0)>
module attributes {stable_mosaic.version = 14 : i64} {
  func.func @_deg_kernel(%arg0: i32, %arg1: i32, %arg2: memref<32x125x40xi32, #tpu.memory_space<hbm>>, %arg3: memref<10240xf32, #tpu.memory_space<hbm>>, %arg4: memref<10240xf32, #tpu.memory_space<hbm>>, %arg5: memref<125x40xi32, #tpu.memory_space<vmem>>, %arg6: memref<48xf32, #tpu.memory_space<vmem>>, %arg7: memref<640xf32, #tpu.memory_space<vmem>>, %arg8: memref<10240xf32, #tpu.memory_space<vmem_shared>>) attributes {dimension_semantics = [#tpu.dimension_semantics<core_parallel>, #tpu.dimension_semantics<subcore_parallel>], iteration_bounds = array<i64: 2, 16>, scalar_prefetch = 0 : i64, scratch_operands = 4 : i64, tpu.core_type = #tpu.core_type<sc_vector_subcore>, window_params = [{transform_indices = #map}, {transform_indices = #map1}, {transform_indices = #map1}]} {
    %mul3A = arith.constant 16 : i32
    %mul3A_0 = arith.muli %arg0, %mul3A : i32
    %add3A = arith.addi %mul3A_0, %arg1 : i32
    %scan3A = arith.constant 0 : i32
    %scan3A_1 = arith.constant 0 : i32
    %scan3A_2 = arith.constant 3 : i32
    %scan3A_3 = arith.addi %scan3A_1, %scan3A_2 : i32
    %scan3A_4 = arith.constant 1 : i32
    %scan3A_5 = scf.for %scan3A_33 = %scan3A_1 to %scan3A_3 step %scan3A_4 iter_args(%scan3A_34 = %scan3A) -> (i32)  : i32 {
      %broadcast_in_dim3A = arith.constant 1.000000e+00 : f32
      %broadcast_in_dim3A_35 = vector.broadcast %broadcast_in_dim3A : f32 to vector<16xf32>
      %mul3A_36 = arith.constant 16 : i32
      %mul3A_37 = arith.muli %scan3A_33, %mul3A_36 : i32
      %swap3A = arith.index_cast %mul3A_37 : i32 to index
      %swap3A_38 = tpu.vector_load %arg6[%swap3A] {strides = array<i32>} : memref<48xf32, #tpu.memory_space<vmem>>, vector<16xf32>,
      %swap3A_39 = vector.shape_cast %swap3A_38 : vector<16xf32> to vector<16xf32>
      %swap3A_40 = vector.shape_cast %broadcast_in_dim3A_35 : vector<16xf32> to vector<16xf32>
      tpu.vector_store %arg6[%swap3A], %swap3A_40 {strides = array<i32>} : memref<48xf32, #tpu.memory_space<vmem>>, vector<16xf32>,
      %scan3A_41 = arith.constant 0 : i32
      scf.yield %scan3A_41 : i32
    }
    %scan3A_6 = arith.constant 3 : i32
    %scan3A_7 = arith.constant 0 : i32
    %scan3A_8 = arith.constant 0 : i32
    %scan3A_9 = arith.constant 40 : i32
    %scan3A_10 = arith.addi %scan3A_8, %scan3A_9 : i32
    %scan3A_11 = arith.constant 1 : i32
    %scan3A_12 = scf.for %scan3A_33 = %scan3A_8 to %scan3A_10 step %scan3A_11 iter_args(%scan3A_34 = %scan3A_7) -> (i32)  : i32 {
      %broadcast_in_dim3A = arith.constant 0.000000e+00 : f32
      %broadcast_in_dim3A_35 = vector.broadcast %broadcast_in_dim3A : f32 to vector<16xf32>
      %mul3A_36 = arith.constant 16 : i32
      %mul3A_37 = arith.muli %scan3A_33, %mul3A_36 : i32
      %swap3A = arith.index_cast %mul3A_37 : i32 to index
      %swap3A_38 = tpu.vector_load %arg7[%swap3A] {strides = array<i32>} : memref<640xf32, #tpu.memory_space<vmem>>, vector<16xf32>,
      %swap3A_39 = vector.shape_cast %swap3A_38 : vector<16xf32> to vector<16xf32>
      %swap3A_40 = vector.shape_cast %broadcast_in_dim3A_35 : vector<16xf32> to vector<16xf32>
      tpu.vector_store %arg7[%swap3A], %swap3A_40 {strides = array<i32>} : memref<640xf32, #tpu.memory_space<vmem>>, vector<16xf32>,
      %scan3A_41 = arith.constant 0 : i32
      scf.yield %scan3A_41 : i32
    }
    %scan3A_13 = arith.constant 40 : i32
    %mul3A_14 = arith.constant 640 : i32
    %mul3A_15 = arith.muli %arg1, %mul3A_14 : i32
    "tpu.region"() ({
      %run_scoped3A = tpu.sem_alloc : memref<!tpu.dma_semaphore, #tpu.memory_space<semaphore_mem>>
      %dma_start3A = tpu.memref_slice %arg8[%mul3A_15] : memref<10240xf32, #tpu.memory_space<vmem_shared>> -> memref<640xf32, #tpu.memory_space<vmem_shared>>
      %dma_start3A_33 = tpu.memref_slice %arg8[%mul3A_15] : memref<10240xf32, #tpu.memory_space<vmem_shared>> -> memref<640xf32, #tpu.memory_space<vmem_shared>>
      tpu.enqueue_dma source(%arg7 : memref<640xf32, #tpu.memory_space<vmem>>) target(%dma_start3A_33 : memref<640xf32, #tpu.memory_space<vmem_shared>>) target_semaphore(%run_scoped3A : memref<!tpu.dma_semaphore, #tpu.memory_space<semaphore_mem>>)
      %dma_wait3A = tpu.memref_slice %arg8[%mul3A_15] : memref<10240xf32, #tpu.memory_space<vmem_shared>> -> memref<640xf32, #tpu.memory_space<vmem_shared>>
      %dma_wait3A_34 = tpu.memref_slice %arg8[%mul3A_15] : memref<10240xf32, #tpu.memory_space<vmem_shared>> -> memref<640xf32, #tpu.memory_space<vmem_shared>>
      tpu.wait_dma2 semaphore(%run_scoped3A : memref<!tpu.dma_semaphore, #tpu.memory_space<semaphore_mem>>) src(%arg7 : memref<640xf32, #tpu.memory_space<vmem>>) dst(%dma_wait3A_34 : memref<640xf32, #tpu.memory_space<vmem_shared>>)
      tpu.yield
    }) : () -> ()
    %barrier3A = arith.constant 0 : index
    tpu.barrier barrier_id(%barrier3A)
    "tpu.region"() ({
      %run_scoped3A = tpu.sem_alloc : memref<!tpu.dma_semaphore, #tpu.memory_space<semaphore_mem>>
      %dma_start3A = arith.constant 0 : i32
      %dma_start3A_33 = arith.constant 0 : i32
      %dma_start3A_34 = tpu.memref_slice %arg2[%add3A, %dma_start3A, %dma_start3A_33] : memref<32x125x40xi32, #tpu.memory_space<hbm>> -> memref<1x125x40xi32, #tpu.memory_space<hbm>>
      %dma_start3A_35 = tpu.memref_squeeze %dma_start3A_34 : memref<1x125x40xi32, #tpu.memory_space<hbm>> -> memref<125x40xi32, #tpu.memory_space<hbm>>
      %dma_start3A_36 = arith.constant 0 : i32
      %dma_start3A_37 = arith.constant 0 : i32
      %dma_start3A_38 = tpu.memref_slice %arg2[%add3A, %dma_start3A_36, %dma_start3A_37] : memref<32x125x40xi32, #tpu.memory_space<hbm>> -> memref<1x125x40xi32, #tpu.memory_space<hbm>>
      %dma_start3A_39 = tpu.memref_squeeze %dma_start3A_38 : memref<1x125x40xi32, #tpu.memory_space<hbm>> -> memref<125x40xi32, #tpu.memory_space<hbm>>
      tpu.enqueue_dma source(%dma_start3A_39 : memref<125x40xi32, #tpu.memory_space<hbm>>) target(%arg5 : memref<125x40xi32, #tpu.memory_space<vmem>>) target_semaphore(%run_scoped3A : memref<!tpu.dma_semaphore, #tpu.memory_space<semaphore_mem>>)
      %dma_wait3A = arith.constant 0 : i32
      %dma_wait3A_40 = arith.constant 0 : i32
      %dma_wait3A_41 = tpu.memref_slice %arg2[%add3A, %dma_wait3A, %dma_wait3A_40] : memref<32x125x40xi32, #tpu.memory_space<hbm>> -> memref<1x125x40xi32, #tpu.memory_space<hbm>>
      %dma_wait3A_42 = tpu.memref_squeeze %dma_wait3A_41 : memref<1x125x40xi32, #tpu.memory_space<hbm>> -> memref<125x40xi32, #tpu.memory_space<hbm>>
      %dma_wait3A_43 = arith.constant 0 : i32
      %dma_wait3A_44 = arith.constant 0 : i32
      %dma_wait3A_45 = tpu.memref_slice %arg2[%add3A, %dma_wait3A_43, %dma_wait3A_44] : memref<32x125x40xi32, #tpu.memory_space<hbm>> -> memref<1x125x40xi32, #tpu.memory_space<hbm>>
      %dma_wait3A_46 = tpu.memref_squeeze %dma_wait3A_45 : memref<1x125x40xi32, #tpu.memory_space<hbm>> -> memref<125x40xi32, #tpu.memory_space<hbm>>
      tpu.wait_dma2 semaphore(%run_scoped3A : memref<!tpu.dma_semaphore, #tpu.memory_space<semaphore_mem>>) src(%dma_wait3A_46 : memref<125x40xi32, #tpu.memory_space<hbm>>) dst(%arg5 : memref<125x40xi32, #tpu.memory_space<vmem>>)
      tpu.yield
    }) : () -> ()
    %scan3A_16 = arith.constant 0 : i32
    %scan3A_17 = arith.constant 0 : i32
    %scan3A_18 = arith.constant 125 : i32
    %scan3A_19 = arith.addi %scan3A_17, %scan3A_18 : i32
    %scan3A_20 = arith.constant 1 : i32
    %scan3A_21 = scf.for %scan3A_33 = %scan3A_17 to %scan3A_19 step %scan3A_20 iter_args(%scan3A_34 = %scan3A_16) -> (i32)  : i32 {
      "tpu.region"() ({
        %run_scoped3A = tpu.sem_alloc : memref<!tpu.dma_semaphore, #tpu.memory_space<semaphore_mem>>
        %dma_start3A = arith.constant 0 : i32
        %dma_start3A_36 = tpu.memref_slice %arg6[%dma_start3A] : memref<48xf32, #tpu.memory_space<vmem>> -> memref<40xf32, #tpu.memory_space<vmem>>
        %dma_start3A_37 = arith.constant 0 : i32
        %dma_start3A_38 = tpu.memref_slice %arg5[%scan3A_33, %dma_start3A_37] : memref<125x40xi32, #tpu.memory_space<vmem>> -> memref<1x40xi32, #tpu.memory_space<vmem>>
        %dma_start3A_39 = tpu.memref_squeeze %dma_start3A_38 : memref<1x40xi32, #tpu.memory_space<vmem>> -> memref<40xi32, #tpu.memory_space<vmem>>
        %dma_start3A_40 = arith.constant 0 : i32
        %dma_start3A_41 = tpu.memref_slice %arg8[%dma_start3A_40] : memref<10240xf32, #tpu.memory_space<vmem_shared>> -> memref<10240xf32, #tpu.memory_space<vmem_shared>>
        tpu.enqueue_indirect_dma source(%dma_start3A_36 : memref<40xf32, #tpu.memory_space<vmem>>) target(%dma_start3A_41 : memref<10240xf32, #tpu.memory_space<vmem_shared>>) offsets(%dma_start3A_39 : memref<40xi32, #tpu.memory_space<vmem>>) semaphore(%run_scoped3A : memref<!tpu.dma_semaphore, #tpu.memory_space<semaphore_mem>>) {add = true}
        %dma_wait3A = arith.constant 0 : i32
        %dma_wait3A_42 = tpu.memref_slice %arg6[%dma_wait3A] : memref<48xf32, #tpu.memory_space<vmem>> -> memref<40xf32, #tpu.memory_space<vmem>>
        %dma_wait3A_43 = arith.constant 0 : i32
        %dma_wait3A_44 = tpu.memref_slice %arg5[%scan3A_33, %dma_wait3A_43] : memref<125x40xi32, #tpu.memory_space<vmem>> -> memref<1x40xi32, #tpu.memory_space<vmem>>
        %dma_wait3A_45 = tpu.memref_squeeze %dma_wait3A_44 : memref<1x40xi32, #tpu.memory_space<vmem>> -> memref<40xi32, #tpu.memory_space<vmem>>
        %dma_wait3A_46 = arith.constant 0 : i32
        %dma_wait3A_47 = tpu.memref_slice %arg8[%dma_wait3A_46] : memref<10240xf32, #tpu.memory_space<vmem_shared>> -> memref<10240xf32, #tpu.memory_space<vmem_shared>>
        tpu.wait_indirect_dma semaphore(%run_scoped3A : memref<!tpu.dma_semaphore, #tpu.memory_space<semaphore_mem>>) src(%dma_wait3A_42 : memref<40xf32, #tpu.memory_space<vmem>>) dst(%dma_wait3A_47 : memref<10240xf32, #tpu.memory_space<vmem_shared>>)
        tpu.yield
      }) : () -> ()
      %scan3A_35 = arith.constant 0 : i32
      scf.yield %scan3A_35 : i32
    }
    %scan3A_22 = arith.constant 125 : i32
    %barrier3A_23 = arith.constant 0 : index
    tpu.barrier barrier_id(%barrier3A_23)
    %mul3A_24 = arith.constant 640 : i32
    %mul3A_25 = arith.muli %arg1, %mul3A_24 : i32
    "tpu.region"() ({
      %run_scoped3A = tpu.sem_alloc : memref<!tpu.dma_semaphore, #tpu.memory_space<semaphore_mem>>
      %dma_start3A = tpu.memref_slice %arg8[%mul3A_25] : memref<10240xf32, #tpu.memory_space<vmem_shared>> -> memref<640xf32, #tpu.memory_space<vmem_shared>>
      %dma_start3A_33 = tpu.memref_slice %arg8[%mul3A_25] : memref<10240xf32, #tpu.memory_space<vmem_shared>> -> memref<640xf32, #tpu.memory_space<vmem_shared>>
      tpu.enqueue_dma source(%dma_start3A_33 : memref<640xf32, #tpu.memory_space<vmem_shared>>) target(%arg7 : memref<640xf32, #tpu.memory_space<vmem>>) target_semaphore(%run_scoped3A : memref<!tpu.dma_semaphore, #tpu.memory_space<semaphore_mem>>)
      %dma_wait3A = tpu.memref_slice %arg8[%mul3A_25] : memref<10240xf32, #tpu.memory_space<vmem_shared>> -> memref<640xf32, #tpu.memory_space<vmem_shared>>
      %dma_wait3A_34 = tpu.memref_slice %arg8[%mul3A_25] : memref<10240xf32, #tpu.memory_space<vmem_shared>> -> memref<640xf32, #tpu.memory_space<vmem_shared>>
      tpu.wait_dma2 semaphore(%run_scoped3A : memref<!tpu.dma_semaphore, #tpu.memory_space<semaphore_mem>>) src(%dma_wait3A_34 : memref<640xf32, #tpu.memory_space<vmem_shared>>) dst(%arg7 : memref<640xf32, #tpu.memory_space<vmem>>)
      tpu.yield
    }) : () -> ()
    %eq3A = arith.constant 0 : i32
    %eq3A_26 = arith.cmpi eq, %arg0, %eq3A : i32
    %convert_element_type3A = arith.extui %eq3A_26 : i1 to i32
    %cond3A = arith.constant 0 : i32
    %cond3A_27 = arith.cmpi ne, %convert_element_type3A, %cond3A : i32
    scf.if %cond3A_27 {
      %mul3A_33 = arith.constant 640 : i32
      %mul3A_34 = arith.muli %arg1, %mul3A_33 : i32
      "tpu.region"() ({
        %run_scoped3A = tpu.sem_alloc : memref<!tpu.dma_semaphore, #tpu.memory_space<semaphore_mem>>
        %dma_start3A = tpu.memref_slice %arg3[%mul3A_34] : memref<10240xf32, #tpu.memory_space<hbm>> -> memref<640xf32, #tpu.memory_space<hbm>>
        %dma_start3A_35 = tpu.memref_slice %arg3[%mul3A_34] : memref<10240xf32, #tpu.memory_space<hbm>> -> memref<640xf32, #tpu.memory_space<hbm>>
        tpu.enqueue_dma source(%arg7 : memref<640xf32, #tpu.memory_space<vmem>>) target(%dma_start3A_35 : memref<640xf32, #tpu.memory_space<hbm>>) target_semaphore(%run_scoped3A : memref<!tpu.dma_semaphore, #tpu.memory_space<semaphore_mem>>)
        %dma_wait3A = tpu.memref_slice %arg3[%mul3A_34] : memref<10240xf32, #tpu.memory_space<hbm>> -> memref<640xf32, #tpu.memory_space<hbm>>
        %dma_wait3A_36 = tpu.memref_slice %arg3[%mul3A_34] : memref<10240xf32, #tpu.memory_space<hbm>> -> memref<640xf32, #tpu.memory_space<hbm>>
        tpu.wait_dma2 semaphore(%run_scoped3A : memref<!tpu.dma_semaphore, #tpu.memory_space<semaphore_mem>>) src(%arg7 : memref<640xf32, #tpu.memory_space<vmem>>) dst(%dma_wait3A_36 : memref<640xf32, #tpu.memory_space<hbm>>)
        tpu.yield
      }) : () -> ()
    } else {
    }
    %eq3A_28 = arith.constant 1 : i32
    %eq3A_29 = arith.cmpi eq, %arg0, %eq3A_28 : i32
    %convert_element_type3A_30 = arith.extui %eq3A_29 : i1 to i32
    %cond3A_31 = arith.constant 0 : i32
    %cond3A_32 = arith.cmpi ne, %convert_element_type3A_30, %cond3A_31 : i32
    scf.if %cond3A_32 {
      %mul3A_33 = arith.constant 640 : i32
      %mul3A_34 = arith.muli %arg1, %mul3A_33 : i32
      "tpu.region"() ({
        %run_scoped3A = tpu.sem_alloc : memref<!tpu.dma_semaphore, #tpu.memory_space<semaphore_mem>>
        %dma_start3A = tpu.memref_slice %arg4[%mul3A_34] : memref<10240xf32, #tpu.memory_space<hbm>> -> memref<640xf32, #tpu.memory_space<hbm>>
        %dma_start3A_35 = tpu.memref_slice %arg4[%mul3A_34] : memref<10240xf32, #tpu.memory_space<hbm>> -> memref<640xf32, #tpu.memory_space<hbm>>
        tpu.enqueue_dma source(%arg7 : memref<640xf32, #tpu.memory_space<vmem>>) target(%dma_start3A_35 : memref<640xf32, #tpu.memory_space<hbm>>) target_semaphore(%run_scoped3A : memref<!tpu.dma_semaphore, #tpu.memory_space<semaphore_mem>>)
        %dma_wait3A = tpu.memref_slice %arg4[%mul3A_34] : memref<10240xf32, #tpu.memory_space<hbm>> -> memref<640xf32, #tpu.memory_space<hbm>>
        %dma_wait3A_36 = tpu.memref_slice %arg4[%mul3A_34] : memref<10240xf32, #tpu.memory_space<hbm>> -> memref<640xf32, #tpu.memory_space<hbm>>
        tpu.wait_dma2 semaphore(%run_scoped3A : memref<!tpu.dma_semaphore, #tpu.memory_space<semaphore_mem>>) src(%arg7 : memref<640xf32, #tpu.memory_space<vmem>>) dst(%dma_wait3A_36 : memref<640xf32, #tpu.memory_space<hbm>>)
        tpu.yield
      }) : () -> ()
    } else {
    }
    return
  }
}

#map = affine_map<(d0, d1) -> (0, 0, 0)>
#map1 = affine_map<(d0, d1) -> (0, 0)>
module attributes {stable_mosaic.version = 14 : i64} {
  func.func @_edge_kernel(%arg0: i32, %arg1: i32, %arg2: memref<16x125x80xi32, #tpu.memory_space<hbm>>, %arg3: memref<16x125x80xi32, #tpu.memory_space<hbm>>, %arg4: memref<10000x128xf32, #tpu.memory_space<hbm>>, %arg5: memref<10000x128xf32, #tpu.memory_space<hbm>>, %arg6: memref<10112x128xf32, #tpu.memory_space<hbm>>, %arg7: memref<10112x128xf32, #tpu.memory_space<hbm>>, %arg8: memref<125x80xi32, #tpu.memory_space<vmem>>, %arg9: memref<125x80xi32, #tpu.memory_space<vmem>>, %arg10: memref<80x128xf32, #tpu.memory_space<vmem>>, %arg11: memref<10112x128xf32, #tpu.memory_space<vmem_shared>>, %arg12: memref<!tpu.dma_semaphore, #tpu.memory_space<semaphore_mem>>) attributes {dimension_semantics = [#tpu.dimension_semantics<core_parallel>, #tpu.dimension_semantics<subcore_parallel>], iteration_bounds = array<i64: 2, 16>, scalar_prefetch = 0 : i64, scratch_operands = 5 : i64, tpu.core_type = #tpu.core_type<sc_vector_subcore>, window_params = [{transform_indices = #map}, {transform_indices = #map}, {transform_indices = #map1}, {transform_indices = #map1}, {transform_indices = #map1}, {transform_indices = #map1}]} {
    %scan3A = arith.constant 0 : i32
    %scan3A_0 = arith.constant 0 : i32
    %scan3A_1 = arith.constant 80 : i32
    %scan3A_2 = arith.addi %scan3A_0, %scan3A_1 : i32
    %scan3A_3 = arith.constant 1 : i32
    %scan3A_4 = scf.for %scan3A_22 = %scan3A_0 to %scan3A_2 step %scan3A_3 iter_args(%scan3A_23 = %scan3A) -> (i32)  : i32 {
      %scan3A_24 = arith.constant 0 : i32
      %scan3A_25 = arith.constant 0 : i32
      %scan3A_26 = arith.constant 8 : i32
      %scan3A_27 = arith.addi %scan3A_25, %scan3A_26 : i32
      %scan3A_28 = arith.constant 1 : i32
      %scan3A_29 = scf.for %scan3A_32 = %scan3A_25 to %scan3A_27 step %scan3A_28 iter_args(%scan3A_33 = %scan3A_24) -> (i32)  : i32 {
        %broadcast_in_dim3A = arith.constant 0.000000e+00 : f32
        %broadcast_in_dim3A_34 = vector.broadcast %broadcast_in_dim3A : f32 to vector<16xf32>
        %mul3A_35 = arith.constant 16 : i32
        %mul3A_36 = arith.muli %scan3A_32, %mul3A_35 : i32
        %swap3A = arith.index_cast %scan3A_22 : i32 to index
        %swap3A_37 = arith.index_cast %mul3A_36 : i32 to index
        %swap3A_38 = tpu.vector_load %arg10[%swap3A, %swap3A_37] {strides = array<i32>} : memref<80x128xf32, #tpu.memory_space<vmem>>, vector<1x16xf32>,
        %swap3A_39 = vector.shape_cast %swap3A_38 : vector<1x16xf32> to vector<16xf32>
        %swap3A_40 = vector.shape_cast %broadcast_in_dim3A_34 : vector<16xf32> to vector<1x16xf32>
        tpu.vector_store %arg10[%swap3A, %swap3A_37], %swap3A_40 {strides = array<i32>} : memref<80x128xf32, #tpu.memory_space<vmem>>, vector<1x16xf32>,
        %scan3A_41 = arith.constant 0 : i32
        scf.yield %scan3A_41 : i32
      }
      %scan3A_30 = arith.constant 8 : i32
      %scan3A_31 = arith.constant 0 : i32
      scf.yield %scan3A_31 : i32
    }
    %scan3A_5 = arith.constant 80 : i32
    %scan3A_6 = arith.constant 0 : i32
    %scan3A_7 = arith.constant 0 : i32
    %scan3A_8 = arith.constant 7 : i32
    %scan3A_9 = arith.addi %scan3A_7, %scan3A_8 : i32
    %scan3A_10 = arith.constant 1 : i32
    %scan3A_11 = scf.for %scan3A_22 = %scan3A_7 to %scan3A_9 step %scan3A_10 iter_args(%scan3A_23 = %scan3A_6) -> (i32)  : i32 {
      %mul3A_24 = arith.constant 632 : i32
      %mul3A_25 = arith.muli %arg1, %mul3A_24 : i32
      %mul3A_26 = arith.constant 80 : i32
      %mul3A_27 = arith.muli %scan3A_22, %mul3A_26 : i32
      %add3A_28 = arith.addi %mul3A_25, %mul3A_27 : i32
      "tpu.region"() ({
        %run_scoped3A = tpu.sem_alloc : memref<!tpu.dma_semaphore, #tpu.memory_space<semaphore_mem>>
        %dma_start3A = arith.constant 0 : i32
        %dma_start3A_30 = tpu.memref_slice %arg11[%add3A_28, %dma_start3A] : memref<10112x128xf32, #tpu.memory_space<vmem_shared>> -> memref<80x128xf32, #tpu.memory_space<vmem_shared>>
        %dma_start3A_31 = arith.constant 0 : i32
        %dma_start3A_32 = tpu.memref_slice %arg11[%add3A_28, %dma_start3A_31] : memref<10112x128xf32, #tpu.memory_space<vmem_shared>> -> memref<80x128xf32, #tpu.memory_space<vmem_shared>>
        tpu.enqueue_dma source(%arg10 : memref<80x128xf32, #tpu.memory_space<vmem>>) target(%dma_start3A_32 : memref<80x128xf32, #tpu.memory_space<vmem_shared>>) target_semaphore(%run_scoped3A : memref<!tpu.dma_semaphore, #tpu.memory_space<semaphore_mem>>)
        %dma_wait3A = arith.constant 0 : i32
        %dma_wait3A_33 = tpu.memref_slice %arg11[%add3A_28, %dma_wait3A] : memref<10112x128xf32, #tpu.memory_space<vmem_shared>> -> memref<80x128xf32, #tpu.memory_space<vmem_shared>>
        %dma_wait3A_34 = arith.constant 0 : i32
        %dma_wait3A_35 = tpu.memref_slice %arg11[%add3A_28, %dma_wait3A_34] : memref<10112x128xf32, #tpu.memory_space<vmem_shared>> -> memref<80x128xf32, #tpu.memory_space<vmem_shared>>
        tpu.wait_dma2 semaphore(%run_scoped3A : memref<!tpu.dma_semaphore, #tpu.memory_space<semaphore_mem>>) src(%arg10 : memref<80x128xf32, #tpu.memory_space<vmem>>) dst(%dma_wait3A_35 : memref<80x128xf32, #tpu.memory_space<vmem_shared>>)
        tpu.yield
      }) : () -> ()
      %scan3A_29 = arith.constant 0 : i32
      scf.yield %scan3A_29 : i32
    }
    %scan3A_12 = arith.constant 7 : i32
    %mul3A = arith.constant 632 : i32
    %mul3A_13 = arith.muli %arg1, %mul3A : i32
    %add3A = arith.constant 560 : i32
    %add3A_14 = arith.addi %mul3A_13, %add3A : i32
    "tpu.region"() ({
      %run_scoped3A = tpu.sem_alloc : memref<!tpu.dma_semaphore, #tpu.memory_space<semaphore_mem>>
      %dma_start3A = arith.constant 0 : i32
      %dma_start3A_22 = arith.constant 0 : i32
      %dma_start3A_23 = tpu.memref_slice %arg10[%dma_start3A, %dma_start3A_22] : memref<80x128xf32, #tpu.memory_space<vmem>> -> memref<72x128xf32, #tpu.memory_space<vmem>>
      %dma_start3A_24 = arith.constant 0 : i32
      %dma_start3A_25 = tpu.memref_slice %arg11[%add3A_14, %dma_start3A_24] : memref<10112x128xf32, #tpu.memory_space<vmem_shared>> -> memref<72x128xf32, #tpu.memory_space<vmem_shared>>
      %dma_start3A_26 = arith.constant 0 : i32
      %dma_start3A_27 = tpu.memref_slice %arg11[%add3A_14, %dma_start3A_26] : memref<10112x128xf32, #tpu.memory_space<vmem_shared>> -> memref<72x128xf32, #tpu.memory_space<vmem_shared>>
      %dma_start3A_28 = arith.constant 0 : i32
      %dma_start3A_29 = arith.constant 0 : i32
      %dma_start3A_30 = tpu.memref_slice %arg10[%dma_start3A_28, %dma_start3A_29] : memref<80x128xf32, #tpu.memory_space<vmem>> -> memref<72x128xf32, #tpu.memory_space<vmem>>
      tpu.enqueue_dma source(%dma_start3A_30 : memref<72x128xf32, #tpu.memory_space<vmem>>) target(%dma_start3A_27 : memref<72x128xf32, #tpu.memory_space<vmem_shared>>) target_semaphore(%run_scoped3A : memref<!tpu.dma_semaphore, #tpu.memory_space<semaphore_mem>>)
      %dma_wait3A = arith.constant 0 : i32
      %dma_wait3A_31 = arith.constant 0 : i32
      %dma_wait3A_32 = tpu.memref_slice %arg10[%dma_wait3A, %dma_wait3A_31] : memref<80x128xf32, #tpu.memory_space<vmem>> -> memref<72x128xf32, #tpu.memory_space<vmem>>
      %dma_wait3A_33 = arith.constant 0 : i32
      %dma_wait3A_34 = tpu.memref_slice %arg11[%add3A_14, %dma_wait3A_33] : memref<10112x128xf32, #tpu.memory_space<vmem_shared>> -> memref<72x128xf32, #tpu.memory_space<vmem_shared>>
      %dma_wait3A_35 = arith.constant 0 : i32
      %dma_wait3A_36 = tpu.memref_slice %arg11[%add3A_14, %dma_wait3A_35] : memref<10112x128xf32, #tpu.memory_space<vmem_shared>> -> memref<72x128xf32, #tpu.memory_space<vmem_shared>>
      %dma_wait3A_37 = arith.constant 0 : i32
      %dma_wait3A_38 = arith.constant 0 : i32
      %dma_wait3A_39 = tpu.memref_slice %arg10[%dma_wait3A_37, %dma_wait3A_38] : memref<80x128xf32, #tpu.memory_space<vmem>> -> memref<72x128xf32, #tpu.memory_space<vmem>>
      tpu.wait_dma2 semaphore(%run_scoped3A : memref<!tpu.dma_semaphore, #tpu.memory_space<semaphore_mem>>) src(%dma_wait3A_39 : memref<72x128xf32, #tpu.memory_space<vmem>>) dst(%dma_wait3A_36 : memref<72x128xf32, #tpu.memory_space<vmem_shared>>)
      tpu.yield
    }) : () -> ()
    %barrier3A = arith.constant 0 : index
    tpu.barrier barrier_id(%barrier3A)
    "tpu.region"() ({
      %run_scoped3A = tpu.sem_alloc : memref<!tpu.dma_semaphore, #tpu.memory_space<semaphore_mem>>
      %dma_start3A = arith.constant 0 : i32
      %dma_start3A_22 = arith.constant 0 : i32
      %dma_start3A_23 = tpu.memref_slice %arg2[%arg1, %dma_start3A, %dma_start3A_22] : memref<16x125x80xi32, #tpu.memory_space<hbm>> -> memref<1x125x80xi32, #tpu.memory_space<hbm>>
      %dma_start3A_24 = tpu.memref_squeeze %dma_start3A_23 : memref<1x125x80xi32, #tpu.memory_space<hbm>> -> memref<125x80xi32, #tpu.memory_space<hbm>>
      %dma_start3A_25 = arith.constant 0 : i32
      %dma_start3A_26 = arith.constant 0 : i32
      %dma_start3A_27 = tpu.memref_slice %arg2[%arg1, %dma_start3A_25, %dma_start3A_26] : memref<16x125x80xi32, #tpu.memory_space<hbm>> -> memref<1x125x80xi32, #tpu.memory_space<hbm>>
      %dma_start3A_28 = tpu.memref_squeeze %dma_start3A_27 : memref<1x125x80xi32, #tpu.memory_space<hbm>> -> memref<125x80xi32, #tpu.memory_space<hbm>>
      tpu.enqueue_dma source(%dma_start3A_28 : memref<125x80xi32, #tpu.memory_space<hbm>>) target(%arg8 : memref<125x80xi32, #tpu.memory_space<vmem>>) target_semaphore(%run_scoped3A : memref<!tpu.dma_semaphore, #tpu.memory_space<semaphore_mem>>)
      %dma_wait3A = arith.constant 0 : i32
      %dma_wait3A_29 = arith.constant 0 : i32
      %dma_wait3A_30 = tpu.memref_slice %arg2[%arg1, %dma_wait3A, %dma_wait3A_29] : memref<16x125x80xi32, #tpu.memory_space<hbm>> -> memref<1x125x80xi32, #tpu.memory_space<hbm>>
      %dma_wait3A_31 = tpu.memref_squeeze %dma_wait3A_30 : memref<1x125x80xi32, #tpu.memory_space<hbm>> -> memref<125x80xi32, #tpu.memory_space<hbm>>
      %dma_wait3A_32 = arith.constant 0 : i32
      %dma_wait3A_33 = arith.constant 0 : i32
      %dma_wait3A_34 = tpu.memref_slice %arg2[%arg1, %dma_wait3A_32, %dma_wait3A_33] : memref<16x125x80xi32, #tpu.memory_space<hbm>> -> memref<1x125x80xi32, #tpu.memory_space<hbm>>
      %dma_wait3A_35 = tpu.memref_squeeze %dma_wait3A_34 : memref<1x125x80xi32, #tpu.memory_space<hbm>> -> memref<125x80xi32, #tpu.memory_space<hbm>>
      tpu.wait_dma2 semaphore(%run_scoped3A : memref<!tpu.dma_semaphore, #tpu.memory_space<semaphore_mem>>) src(%dma_wait3A_35 : memref<125x80xi32, #tpu.memory_space<hbm>>) dst(%arg8 : memref<125x80xi32, #tpu.memory_space<vmem>>)
      tpu.yield
    }) : () -> ()
    "tpu.region"() ({
      %run_scoped3A = tpu.sem_alloc : memref<!tpu.dma_semaphore, #tpu.memory_space<semaphore_mem>>
      %dma_start3A = arith.constant 0 : i32
      %dma_start3A_22 = arith.constant 0 : i32
      %dma_start3A_23 = tpu.memref_slice %arg3[%arg1, %dma_start3A, %dma_start3A_22] : memref<16x125x80xi32, #tpu.memory_space<hbm>> -> memref<1x125x80xi32, #tpu.memory_space<hbm>>
      %dma_start3A_24 = tpu.memref_squeeze %dma_start3A_23 : memref<1x125x80xi32, #tpu.memory_space<hbm>> -> memref<125x80xi32, #tpu.memory_space<hbm>>
      %dma_start3A_25 = arith.constant 0 : i32
      %dma_start3A_26 = arith.constant 0 : i32
      %dma_start3A_27 = tpu.memref_slice %arg3[%arg1, %dma_start3A_25, %dma_start3A_26] : memref<16x125x80xi32, #tpu.memory_space<hbm>> -> memref<1x125x80xi32, #tpu.memory_space<hbm>>
      %dma_start3A_28 = tpu.memref_squeeze %dma_start3A_27 : memref<1x125x80xi32, #tpu.memory_space<hbm>> -> memref<125x80xi32, #tpu.memory_space<hbm>>
      tpu.enqueue_dma source(%dma_start3A_28 : memref<125x80xi32, #tpu.memory_space<hbm>>) target(%arg9 : memref<125x80xi32, #tpu.memory_space<vmem>>) target_semaphore(%run_scoped3A : memref<!tpu.dma_semaphore, #tpu.memory_space<semaphore_mem>>)
      %dma_wait3A = arith.constant 0 : i32
      %dma_wait3A_29 = arith.constant 0 : i32
      %dma_wait3A_30 = tpu.memref_slice %arg3[%arg1, %dma_wait3A, %dma_wait3A_29] : memref<16x125x80xi32, #tpu.memory_space<hbm>> -> memref<1x125x80xi32, #tpu.memory_space<hbm>>
      %dma_wait3A_31 = tpu.memref_squeeze %dma_wait3A_30 : memref<1x125x80xi32, #tpu.memory_space<hbm>> -> memref<125x80xi32, #tpu.memory_space<hbm>>
      %dma_wait3A_32 = arith.constant 0 : i32
      %dma_wait3A_33 = arith.constant 0 : i32
      %dma_wait3A_34 = tpu.memref_slice %arg3[%arg1, %dma_wait3A_32, %dma_wait3A_33] : memref<16x125x80xi32, #tpu.memory_space<hbm>> -> memref<1x125x80xi32, #tpu.memory_space<hbm>>
      %dma_wait3A_35 = tpu.memref_squeeze %dma_wait3A_34 : memref<1x125x80xi32, #tpu.memory_space<hbm>> -> memref<125x80xi32, #tpu.memory_space<hbm>>
      tpu.wait_dma2 semaphore(%run_scoped3A : memref<!tpu.dma_semaphore, #tpu.memory_space<semaphore_mem>>) src(%dma_wait3A_35 : memref<125x80xi32, #tpu.memory_space<hbm>>) dst(%arg9 : memref<125x80xi32, #tpu.memory_space<vmem>>)
      tpu.yield
    }) : () -> ()
    %eq3A = arith.constant 0 : i32
    %eq3A_15 = arith.cmpi eq, %arg0, %eq3A : i32
    %convert_element_type3A = arith.extui %eq3A_15 : i1 to i32
    %cond3A = arith.constant 0 : i32
    %cond3A_16 = arith.cmpi ne, %convert_element_type3A, %cond3A : i32
    scf.if %cond3A_16 {
      %scan3A_22 = arith.constant 0 : i32
      %scan3A_23 = arith.constant 0 : i32
      %scan3A_24 = arith.constant 125 : i32
      %scan3A_25 = arith.addi %scan3A_23, %scan3A_24 : i32
      %scan3A_26 = arith.constant 1 : i32
      %scan3A_27 = scf.for %scan3A_45 = %scan3A_23 to %scan3A_25 step %scan3A_26 iter_args(%scan3A_46 = %scan3A_22) -> (i32)  : i32 {
        %dma_start3A = arith.constant 0 : i32
        %dma_start3A_47 = tpu.memref_slice %arg8[%scan3A_45, %dma_start3A] : memref<125x80xi32, #tpu.memory_space<vmem>> -> memref<1x80xi32, #tpu.memory_space<vmem>>
        %dma_start3A_48 = tpu.memref_squeeze %dma_start3A_47 : memref<1x80xi32, #tpu.memory_space<vmem>> -> memref<80xi32, #tpu.memory_space<vmem>>
        %dma_start3A_49 = arith.constant 0 : i32
        %dma_start3A_50 = arith.constant 0 : i32
        %dma_start3A_51 = tpu.memref_slice %arg4[%dma_start3A_49, %dma_start3A_50] : memref<10000x128xf32, #tpu.memory_space<hbm>> -> memref<10000x128xf32, #tpu.memory_space<hbm>>
        tpu.enqueue_indirect_dma source(%dma_start3A_51 : memref<10000x128xf32, #tpu.memory_space<hbm>>) target(%arg10 : memref<80x128xf32, #tpu.memory_space<vmem>>) offsets(%dma_start3A_48 : memref<80xi32, #tpu.memory_space<vmem>>) semaphore(%arg12 : memref<!tpu.dma_semaphore, #tpu.memory_space<semaphore_mem>>)
        %dma_wait3A = arith.constant 0 : i32
        %dma_wait3A_52 = tpu.memref_slice %arg8[%scan3A_45, %dma_wait3A] : memref<125x80xi32, #tpu.memory_space<vmem>> -> memref<1x80xi32, #tpu.memory_space<vmem>>
        %dma_wait3A_53 = tpu.memref_squeeze %dma_wait3A_52 : memref<1x80xi32, #tpu.memory_space<vmem>> -> memref<80xi32, #tpu.memory_space<vmem>>
        %dma_wait3A_54 = arith.constant 0 : i32
        %dma_wait3A_55 = arith.constant 0 : i32
        %dma_wait3A_56 = tpu.memref_slice %arg4[%dma_wait3A_54, %dma_wait3A_55] : memref<10000x128xf32, #tpu.memory_space<hbm>> -> memref<10000x128xf32, #tpu.memory_space<hbm>>
        tpu.wait_indirect_dma semaphore(%arg12 : memref<!tpu.dma_semaphore, #tpu.memory_space<semaphore_mem>>) src(%dma_wait3A_56 : memref<10000x128xf32, #tpu.memory_space<hbm>>) dst(%arg10 : memref<80x128xf32, #tpu.memory_space<vmem>>)
        "tpu.region"() ({
          %run_scoped3A = tpu.sem_alloc : memref<!tpu.dma_semaphore, #tpu.memory_space<semaphore_mem>>
          %dma_start3A_58 = arith.constant 0 : i32
          %dma_start3A_59 = tpu.memref_slice %arg9[%scan3A_45, %dma_start3A_58] : memref<125x80xi32, #tpu.memory_space<vmem>> -> memref<1x80xi32, #tpu.memory_space<vmem>>
          %dma_start3A_60 = tpu.memref_squeeze %dma_start3A_59 : memref<1x80xi32, #tpu.memory_space<vmem>> -> memref<80xi32, #tpu.memory_space<vmem>>
          %dma_start3A_61 = arith.constant 0 : i32
          %dma_start3A_62 = arith.constant 0 : i32
          %dma_start3A_63 = tpu.memref_slice %arg11[%dma_start3A_61, %dma_start3A_62] : memref<10112x128xf32, #tpu.memory_space<vmem_shared>> -> memref<10112x128xf32, #tpu.memory_space<vmem_shared>>
          tpu.enqueue_indirect_dma source(%arg10 : memref<80x128xf32, #tpu.memory_space<vmem>>) target(%dma_start3A_63 : memref<10112x128xf32, #tpu.memory_space<vmem_shared>>) offsets(%dma_start3A_60 : memref<80xi32, #tpu.memory_space<vmem>>) semaphore(%run_scoped3A : memref<!tpu.dma_semaphore, #tpu.memory_space<semaphore_mem>>) {add = true}
          %dma_wait3A_64 = arith.constant 0 : i32
          %dma_wait3A_65 = tpu.memref_slice %arg9[%scan3A_45, %dma_wait3A_64] : memref<125x80xi32, #tpu.memory_space<vmem>> -> memref<1x80xi32, #tpu.memory_space<vmem>>
          %dma_wait3A_66 = tpu.memref_squeeze %dma_wait3A_65 : memref<1x80xi32, #tpu.memory_space<vmem>> -> memref<80xi32, #tpu.memory_space<vmem>>
          %dma_wait3A_67 = arith.constant 0 : i32
          %dma_wait3A_68 = arith.constant 0 : i32
          %dma_wait3A_69 = tpu.memref_slice %arg11[%dma_wait3A_67, %dma_wait3A_68] : memref<10112x128xf32, #tpu.memory_space<vmem_shared>> -> memref<10112x128xf32, #tpu.memory_space<vmem_shared>>
          tpu.wait_indirect_dma semaphore(%run_scoped3A : memref<!tpu.dma_semaphore, #tpu.memory_space<semaphore_mem>>) src(%arg10 : memref<80x128xf32, #tpu.memory_space<vmem>>) dst(%dma_wait3A_69 : memref<10112x128xf32, #tpu.memory_space<vmem_shared>>)
          tpu.yield
        }) : () -> ()
        %scan3A_57 = arith.constant 0 : i32
        scf.yield %scan3A_57 : i32
      }
      %scan3A_28 = arith.constant 125 : i32
      %barrier3A_29 = arith.constant 0 : index
      tpu.barrier barrier_id(%barrier3A_29)
      %scan3A_30 = arith.constant 0 : i32
      %scan3A_31 = arith.constant 0 : i32
      %scan3A_32 = arith.constant 7 : i32
      %scan3A_33 = arith.addi %scan3A_31, %scan3A_32 : i32
      %scan3A_34 = arith.constant 1 : i32
      %scan3A_35 = scf.for %scan3A_45 = %scan3A_31 to %scan3A_33 step %scan3A_34 iter_args(%scan3A_46 = %scan3A_30) -> (i32)  : i32 {
        %mul3A_47 = arith.constant 80 : i32
        %mul3A_48 = arith.muli %scan3A_45, %mul3A_47 : i32
        %mul3A_49 = arith.constant 632 : i32
        %mul3A_50 = arith.muli %arg1, %mul3A_49 : i32
        %add3A_51 = arith.addi %mul3A_50, %mul3A_48 : i32
        "tpu.region"() ({
          %run_scoped3A = tpu.sem_alloc : memref<!tpu.dma_semaphore, #tpu.memory_space<semaphore_mem>>
          %dma_start3A = arith.constant 0 : i32
          %dma_start3A_56 = arith.constant 0 : i32
          %dma_start3A_57 = tpu.memref_slice %arg10[%dma_start3A, %dma_start3A_56] : memref<80x128xf32, #tpu.memory_space<vmem>> -> memref<80x128xf32, #tpu.memory_space<vmem>>
          %dma_start3A_58 = arith.constant 0 : i32
          %dma_start3A_59 = tpu.memref_slice %arg11[%add3A_51, %dma_start3A_58] : memref<10112x128xf32, #tpu.memory_space<vmem_shared>> -> memref<80x128xf32, #tpu.memory_space<vmem_shared>>
          %dma_start3A_60 = arith.constant 0 : i32
          %dma_start3A_61 = arith.constant 0 : i32
          %dma_start3A_62 = tpu.memref_slice %arg10[%dma_start3A_60, %dma_start3A_61] : memref<80x128xf32, #tpu.memory_space<vmem>> -> memref<80x128xf32, #tpu.memory_space<vmem>>
          %dma_start3A_63 = arith.constant 0 : i32
          %dma_start3A_64 = tpu.memref_slice %arg11[%add3A_51, %dma_start3A_63] : memref<10112x128xf32, #tpu.memory_space<vmem_shared>> -> memref<80x128xf32, #tpu.memory_space<vmem_shared>>
          tpu.enqueue_dma source(%dma_start3A_64 : memref<80x128xf32, #tpu.memory_space<vmem_shared>>) target(%dma_start3A_62 : memref<80x128xf32, #tpu.memory_space<vmem>>) target_semaphore(%run_scoped3A : memref<!tpu.dma_semaphore, #tpu.memory_space<semaphore_mem>>)
          %dma_wait3A = arith.constant 0 : i32
          %dma_wait3A_65 = arith.constant 0 : i32
          %dma_wait3A_66 = tpu.memref_slice %arg10[%dma_wait3A, %dma_wait3A_65] : memref<80x128xf32, #tpu.memory_space<vmem>> -> memref<80x128xf32, #tpu.memory_space<vmem>>
          %dma_wait3A_67 = arith.constant 0 : i32
          %dma_wait3A_68 = tpu.memref_slice %arg11[%add3A_51, %dma_wait3A_67] : memref<10112x128xf32, #tpu.memory_space<vmem_shared>> -> memref<80x128xf32, #tpu.memory_space<vmem_shared>>
          %dma_wait3A_69 = arith.constant 0 : i32
          %dma_wait3A_70 = arith.constant 0 : i32
          %dma_wait3A_71 = tpu.memref_slice %arg10[%dma_wait3A_69, %dma_wait3A_70] : memref<80x128xf32, #tpu.memory_space<vmem>> -> memref<80x128xf32, #tpu.memory_space<vmem>>
          %dma_wait3A_72 = arith.constant 0 : i32
          %dma_wait3A_73 = tpu.memref_slice %arg11[%add3A_51, %dma_wait3A_72] : memref<10112x128xf32, #tpu.memory_space<vmem_shared>> -> memref<80x128xf32, #tpu.memory_space<vmem_shared>>
          tpu.wait_dma2 semaphore(%run_scoped3A : memref<!tpu.dma_semaphore, #tpu.memory_space<semaphore_mem>>) src(%dma_wait3A_73 : memref<80x128xf32, #tpu.memory_space<vmem_shared>>) dst(%dma_wait3A_71 : memref<80x128xf32, #tpu.memory_space<vmem>>)
          tpu.yield
        }) : () -> ()
        %mul3A_52 = arith.constant 632 : i32
        %mul3A_53 = arith.muli %arg1, %mul3A_52 : i32
        %add3A_54 = arith.addi %mul3A_53, %mul3A_48 : i32
        "tpu.region"() ({
          %run_scoped3A = tpu.sem_alloc : memref<!tpu.dma_semaphore, #tpu.memory_space<semaphore_mem>>
          %dma_start3A = arith.constant 0 : i32
          %dma_start3A_56 = arith.constant 0 : i32
          %dma_start3A_57 = tpu.memref_slice %arg10[%dma_start3A, %dma_start3A_56] : memref<80x128xf32, #tpu.memory_space<vmem>> -> memref<80x128xf32, #tpu.memory_space<vmem>>
          %dma_start3A_58 = arith.constant 0 : i32
          %dma_start3A_59 = tpu.memref_slice %arg6[%add3A_54, %dma_start3A_58] : memref<10112x128xf32, #tpu.memory_space<hbm>> -> memref<80x128xf32, #tpu.memory_space<hbm>>
          %dma_start3A_60 = arith.constant 0 : i32
          %dma_start3A_61 = tpu.memref_slice %arg6[%add3A_54, %dma_start3A_60] : memref<10112x128xf32, #tpu.memory_space<hbm>> -> memref<80x128xf32, #tpu.memory_space<hbm>>
          %dma_start3A_62 = arith.constant 0 : i32
          %dma_start3A_63 = arith.constant 0 : i32
          %dma_start3A_64 = tpu.memref_slice %arg10[%dma_start3A_62, %dma_start3A_63] : memref<80x128xf32, #tpu.memory_space<vmem>> -> memref<80x128xf32, #tpu.memory_space<vmem>>
          tpu.enqueue_dma source(%dma_start3A_64 : memref<80x128xf32, #tpu.memory_space<vmem>>) target(%dma_start3A_61 : memref<80x128xf32, #tpu.memory_space<hbm>>) target_semaphore(%run_scoped3A : memref<!tpu.dma_semaphore, #tpu.memory_space<semaphore_mem>>)
          %dma_wait3A = arith.constant 0 : i32
          %dma_wait3A_65 = arith.constant 0 : i32
          %dma_wait3A_66 = tpu.memref_slice %arg10[%dma_wait3A, %dma_wait3A_65] : memref<80x128xf32, #tpu.memory_space<vmem>> -> memref<80x128xf32, #tpu.memory_space<vmem>>
          %dma_wait3A_67 = arith.constant 0 : i32
          %dma_wait3A_68 = tpu.memref_slice %arg6[%add3A_54, %dma_wait3A_67] : memref<10112x128xf32, #tpu.memory_space<hbm>> -> memref<80x128xf32, #tpu.memory_space<hbm>>
          %dma_wait3A_69 = arith.constant 0 : i32
          %dma_wait3A_70 = tpu.memref_slice %arg6[%add3A_54, %dma_wait3A_69] : memref<10112x128xf32, #tpu.memory_space<hbm>> -> memref<80x128xf32, #tpu.memory_space<hbm>>
          %dma_wait3A_71 = arith.constant 0 : i32
          %dma_wait3A_72 = arith.constant 0 : i32
          %dma_wait3A_73 = tpu.memref_slice %arg10[%dma_wait3A_71, %dma_wait3A_72] : memref<80x128xf32, #tpu.memory_space<vmem>> -> memref<80x128xf32, #tpu.memory_space<vmem>>
          tpu.wait_dma2 semaphore(%run_scoped3A : memref<!tpu.dma_semaphore, #tpu.memory_space<semaphore_mem>>) src(%dma_wait3A_73 : memref<80x128xf32, #tpu.memory_space<vmem>>) dst(%dma_wait3A_70 : memref<80x128xf32, #tpu.memory_space<hbm>>)
          tpu.yield
        }) : () -> ()
        %scan3A_55 = arith.constant 0 : i32
        scf.yield %scan3A_55 : i32
      }
      %scan3A_36 = arith.constant 7 : i32
      %mul3A_37 = arith.constant 632 : i32
      %mul3A_38 = arith.muli %arg1, %mul3A_37 : i32
      %add3A_39 = arith.constant 560 : i32
      %add3A_40 = arith.addi %mul3A_38, %add3A_39 : i32
      "tpu.region"() ({
        %run_scoped3A = tpu.sem_alloc : memref<!tpu.dma_semaphore, #tpu.memory_space<semaphore_mem>>
        %dma_start3A = arith.constant 0 : i32
        %dma_start3A_45 = arith.constant 0 : i32
        %dma_start3A_46 = tpu.memref_slice %arg10[%dma_start3A, %dma_start3A_45] : memref<80x128xf32, #tpu.memory_space<vmem>> -> memref<72x128xf32, #tpu.memory_space<vmem>>
        %dma_start3A_47 = arith.constant 0 : i32
        %dma_start3A_48 = tpu.memref_slice %arg11[%add3A_40, %dma_start3A_47] : memref<10112x128xf32, #tpu.memory_space<vmem_shared>> -> memref<72x128xf32, #tpu.memory_space<vmem_shared>>
        %dma_start3A_49 = arith.constant 0 : i32
        %dma_start3A_50 = arith.constant 0 : i32
        %dma_start3A_51 = tpu.memref_slice %arg10[%dma_start3A_49, %dma_start3A_50] : memref<80x128xf32, #tpu.memory_space<vmem>> -> memref<72x128xf32, #tpu.memory_space<vmem>>
        %dma_start3A_52 = arith.constant 0 : i32
        %dma_start3A_53 = tpu.memref_slice %arg11[%add3A_40, %dma_start3A_52] : memref<10112x128xf32, #tpu.memory_space<vmem_shared>> -> memref<72x128xf32, #tpu.memory_space<vmem_shared>>
        tpu.enqueue_dma source(%dma_start3A_53 : memref<72x128xf32, #tpu.memory_space<vmem_shared>>) target(%dma_start3A_51 : memref<72x128xf32, #tpu.memory_space<vmem>>) target_semaphore(%run_scoped3A : memref<!tpu.dma_semaphore, #tpu.memory_space<semaphore_mem>>)
        %dma_wait3A = arith.constant 0 : i32
        %dma_wait3A_54 = arith.constant 0 : i32
        %dma_wait3A_55 = tpu.memref_slice %arg10[%dma_wait3A, %dma_wait3A_54] : memref<80x128xf32, #tpu.memory_space<vmem>> -> memref<72x128xf32, #tpu.memory_space<vmem>>
        %dma_wait3A_56 = arith.constant 0 : i32
        %dma_wait3A_57 = tpu.memref_slice %arg11[%add3A_40, %dma_wait3A_56] : memref<10112x128xf32, #tpu.memory_space<vmem_shared>> -> memref<72x128xf32, #tpu.memory_space<vmem_shared>>
        %dma_wait3A_58 = arith.constant 0 : i32
        %dma_wait3A_59 = arith.constant 0 : i32
        %dma_wait3A_60 = tpu.memref_slice %arg10[%dma_wait3A_58, %dma_wait3A_59] : memref<80x128xf32, #tpu.memory_space<vmem>> -> memref<72x128xf32, #tpu.memory_space<vmem>>
        %dma_wait3A_61 = arith.constant 0 : i32
        %dma_wait3A_62 = tpu.memref_slice %arg11[%add3A_40, %dma_wait3A_61] : memref<10112x128xf32, #tpu.memory_space<vmem_shared>> -> memref<72x128xf32, #tpu.memory_space<vmem_shared>>
        tpu.wait_dma2 semaphore(%run_scoped3A : memref<!tpu.dma_semaphore, #tpu.memory_space<semaphore_mem>>) src(%dma_wait3A_62 : memref<72x128xf32, #tpu.memory_space<vmem_shared>>) dst(%dma_wait3A_60 : memref<72x128xf32, #tpu.memory_space<vmem>>)
        tpu.yield
      }) : () -> ()
      %mul3A_41 = arith.constant 632 : i32
      %mul3A_42 = arith.muli %arg1, %mul3A_41 : i32
      %add3A_43 = arith.constant 560 : i32
      %add3A_44 = arith.addi %mul3A_42, %add3A_43 : i32
      "tpu.region"() ({
        %run_scoped3A = tpu.sem_alloc : memref<!tpu.dma_semaphore, #tpu.memory_space<semaphore_mem>>
        %dma_start3A = arith.constant 0 : i32
        %dma_start3A_45 = arith.constant 0 : i32
        %dma_start3A_46 = tpu.memref_slice %arg10[%dma_start3A, %dma_start3A_45] : memref<80x128xf32, #tpu.memory_space<vmem>> -> memref<72x128xf32, #tpu.memory_space<vmem>>
        %dma_start3A_47 = arith.constant 0 : i32
        %dma_start3A_48 = tpu.memref_slice %arg6[%add3A_44, %dma_start3A_47] : memref<10112x128xf32, #tpu.memory_space<hbm>> -> memref<72x128xf32, #tpu.memory_space<hbm>>
        %dma_start3A_49 = arith.constant 0 : i32
        %dma_start3A_50 = tpu.memref_slice %arg6[%add3A_44, %dma_start3A_49] : memref<10112x128xf32, #tpu.memory_space<hbm>> -> memref<72x128xf32, #tpu.memory_space<hbm>>
        %dma_start3A_51 = arith.constant 0 : i32
        %dma_start3A_52 = arith.constant 0 : i32
        %dma_start3A_53 = tpu.memref_slice %arg10[%dma_start3A_51, %dma_start3A_52] : memref<80x128xf32, #tpu.memory_space<vmem>> -> memref<72x128xf32, #tpu.memory_space<vmem>>
        tpu.enqueue_dma source(%dma_start3A_53 : memref<72x128xf32, #tpu.memory_space<vmem>>) target(%dma_start3A_50 : memref<72x128xf32, #tpu.memory_space<hbm>>) target_semaphore(%run_scoped3A : memref<!tpu.dma_semaphore, #tpu.memory_space<semaphore_mem>>)
        %dma_wait3A = arith.constant 0 : i32
        %dma_wait3A_54 = arith.constant 0 : i32
        %dma_wait3A_55 = tpu.memref_slice %arg10[%dma_wait3A, %dma_wait3A_54] : memref<80x128xf32, #tpu.memory_space<vmem>> -> memref<72x128xf32, #tpu.memory_space<vmem>>
        %dma_wait3A_56 = arith.constant 0 : i32
        %dma_wait3A_57 = tpu.memref_slice %arg6[%add3A_44, %dma_wait3A_56] : memref<10112x128xf32, #tpu.memory_space<hbm>> -> memref<72x128xf32, #tpu.memory_space<hbm>>
        %dma_wait3A_58 = arith.constant 0 : i32
        %dma_wait3A_59 = tpu.memref_slice %arg6[%add3A_44, %dma_wait3A_58] : memref<10112x128xf32, #tpu.memory_space<hbm>> -> memref<72x128xf32, #tpu.memory_space<hbm>>
        %dma_wait3A_60 = arith.constant 0 : i32
        %dma_wait3A_61 = arith.constant 0 : i32
        %dma_wait3A_62 = tpu.memref_slice %arg10[%dma_wait3A_60, %dma_wait3A_61] : memref<80x128xf32, #tpu.memory_space<vmem>> -> memref<72x128xf32, #tpu.memory_space<vmem>>
        tpu.wait_dma2 semaphore(%run_scoped3A : memref<!tpu.dma_semaphore, #tpu.memory_space<semaphore_mem>>) src(%dma_wait3A_62 : memref<72x128xf32, #tpu.memory_space<vmem>>) dst(%dma_wait3A_59 : memref<72x128xf32, #tpu.memory_space<hbm>>)
        tpu.yield
      }) : () -> ()
    } else {
    }
    %eq3A_17 = arith.constant 1 : i32
    %eq3A_18 = arith.cmpi eq, %arg0, %eq3A_17 : i32
    %convert_element_type3A_19 = arith.extui %eq3A_18 : i1 to i32
    %cond3A_20 = arith.constant 0 : i32
    %cond3A_21 = arith.cmpi ne, %convert_element_type3A_19, %cond3A_20 : i32
    scf.if %cond3A_21 {
      %scan3A_22 = arith.constant 0 : i32
      %scan3A_23 = arith.constant 0 : i32
      %scan3A_24 = arith.constant 125 : i32
      %scan3A_25 = arith.addi %scan3A_23, %scan3A_24 : i32
      %scan3A_26 = arith.constant 1 : i32
      %scan3A_27 = scf.for %scan3A_45 = %scan3A_23 to %scan3A_25 step %scan3A_26 iter_args(%scan3A_46 = %scan3A_22) -> (i32)  : i32 {
        %dma_start3A = arith.constant 0 : i32
        %dma_start3A_47 = tpu.memref_slice %arg8[%scan3A_45, %dma_start3A] : memref<125x80xi32, #tpu.memory_space<vmem>> -> memref<1x80xi32, #tpu.memory_space<vmem>>
        %dma_start3A_48 = tpu.memref_squeeze %dma_start3A_47 : memref<1x80xi32, #tpu.memory_space<vmem>> -> memref<80xi32, #tpu.memory_space<vmem>>
        %dma_start3A_49 = arith.constant 0 : i32
        %dma_start3A_50 = arith.constant 0 : i32
        %dma_start3A_51 = tpu.memref_slice %arg5[%dma_start3A_49, %dma_start3A_50] : memref<10000x128xf32, #tpu.memory_space<hbm>> -> memref<10000x128xf32, #tpu.memory_space<hbm>>
        tpu.enqueue_indirect_dma source(%dma_start3A_51 : memref<10000x128xf32, #tpu.memory_space<hbm>>) target(%arg10 : memref<80x128xf32, #tpu.memory_space<vmem>>) offsets(%dma_start3A_48 : memref<80xi32, #tpu.memory_space<vmem>>) semaphore(%arg12 : memref<!tpu.dma_semaphore, #tpu.memory_space<semaphore_mem>>)
        %dma_wait3A = arith.constant 0 : i32
        %dma_wait3A_52 = tpu.memref_slice %arg8[%scan3A_45, %dma_wait3A] : memref<125x80xi32, #tpu.memory_space<vmem>> -> memref<1x80xi32, #tpu.memory_space<vmem>>
        %dma_wait3A_53 = tpu.memref_squeeze %dma_wait3A_52 : memref<1x80xi32, #tpu.memory_space<vmem>> -> memref<80xi32, #tpu.memory_space<vmem>>
        %dma_wait3A_54 = arith.constant 0 : i32
        %dma_wait3A_55 = arith.constant 0 : i32
        %dma_wait3A_56 = tpu.memref_slice %arg5[%dma_wait3A_54, %dma_wait3A_55] : memref<10000x128xf32, #tpu.memory_space<hbm>> -> memref<10000x128xf32, #tpu.memory_space<hbm>>
        tpu.wait_indirect_dma semaphore(%arg12 : memref<!tpu.dma_semaphore, #tpu.memory_space<semaphore_mem>>) src(%dma_wait3A_56 : memref<10000x128xf32, #tpu.memory_space<hbm>>) dst(%arg10 : memref<80x128xf32, #tpu.memory_space<vmem>>)
        "tpu.region"() ({
          %run_scoped3A = tpu.sem_alloc : memref<!tpu.dma_semaphore, #tpu.memory_space<semaphore_mem>>
          %dma_start3A_58 = arith.constant 0 : i32
          %dma_start3A_59 = tpu.memref_slice %arg9[%scan3A_45, %dma_start3A_58] : memref<125x80xi32, #tpu.memory_space<vmem>> -> memref<1x80xi32, #tpu.memory_space<vmem>>
          %dma_start3A_60 = tpu.memref_squeeze %dma_start3A_59 : memref<1x80xi32, #tpu.memory_space<vmem>> -> memref<80xi32, #tpu.memory_space<vmem>>
          %dma_start3A_61 = arith.constant 0 : i32
          %dma_start3A_62 = arith.constant 0 : i32
          %dma_start3A_63 = tpu.memref_slice %arg11[%dma_start3A_61, %dma_start3A_62] : memref<10112x128xf32, #tpu.memory_space<vmem_shared>> -> memref<10112x128xf32, #tpu.memory_space<vmem_shared>>
          tpu.enqueue_indirect_dma source(%arg10 : memref<80x128xf32, #tpu.memory_space<vmem>>) target(%dma_start3A_63 : memref<10112x128xf32, #tpu.memory_space<vmem_shared>>) offsets(%dma_start3A_60 : memref<80xi32, #tpu.memory_space<vmem>>) semaphore(%run_scoped3A : memref<!tpu.dma_semaphore, #tpu.memory_space<semaphore_mem>>) {add = true}
          %dma_wait3A_64 = arith.constant 0 : i32
          %dma_wait3A_65 = tpu.memref_slice %arg9[%scan3A_45, %dma_wait3A_64] : memref<125x80xi32, #tpu.memory_space<vmem>> -> memref<1x80xi32, #tpu.memory_space<vmem>>
          %dma_wait3A_66 = tpu.memref_squeeze %dma_wait3A_65 : memref<1x80xi32, #tpu.memory_space<vmem>> -> memref<80xi32, #tpu.memory_space<vmem>>
          %dma_wait3A_67 = arith.constant 0 : i32
          %dma_wait3A_68 = arith.constant 0 : i32
          %dma_wait3A_69 = tpu.memref_slice %arg11[%dma_wait3A_67, %dma_wait3A_68] : memref<10112x128xf32, #tpu.memory_space<vmem_shared>> -> memref<10112x128xf32, #tpu.memory_space<vmem_shared>>
          tpu.wait_indirect_dma semaphore(%run_scoped3A : memref<!tpu.dma_semaphore, #tpu.memory_space<semaphore_mem>>) src(%arg10 : memref<80x128xf32, #tpu.memory_space<vmem>>) dst(%dma_wait3A_69 : memref<10112x128xf32, #tpu.memory_space<vmem_shared>>)
          tpu.yield
        }) : () -> ()
        %scan3A_57 = arith.constant 0 : i32
        scf.yield %scan3A_57 : i32
      }
      %scan3A_28 = arith.constant 125 : i32
      %barrier3A_29 = arith.constant 0 : index
      tpu.barrier barrier_id(%barrier3A_29)
      %scan3A_30 = arith.constant 0 : i32
      %scan3A_31 = arith.constant 0 : i32
      %scan3A_32 = arith.constant 7 : i32
      %scan3A_33 = arith.addi %scan3A_31, %scan3A_32 : i32
      %scan3A_34 = arith.constant 1 : i32
      %scan3A_35 = scf.for %scan3A_45 = %scan3A_31 to %scan3A_33 step %scan3A_34 iter_args(%scan3A_46 = %scan3A_30) -> (i32)  : i32 {
        %mul3A_47 = arith.constant 80 : i32
        %mul3A_48 = arith.muli %scan3A_45, %mul3A_47 : i32
        %mul3A_49 = arith.constant 632 : i32
        %mul3A_50 = arith.muli %arg1, %mul3A_49 : i32
        %add3A_51 = arith.addi %mul3A_50, %mul3A_48 : i32
        "tpu.region"() ({
          %run_scoped3A = tpu.sem_alloc : memref<!tpu.dma_semaphore, #tpu.memory_space<semaphore_mem>>
          %dma_start3A = arith.constant 0 : i32
          %dma_start3A_56 = arith.constant 0 : i32
          %dma_start3A_57 = tpu.memref_slice %arg10[%dma_start3A, %dma_start3A_56] : memref<80x128xf32, #tpu.memory_space<vmem>> -> memref<80x128xf32, #tpu.memory_space<vmem>>
          %dma_start3A_58 = arith.constant 0 : i32
          %dma_start3A_59 = tpu.memref_slice %arg11[%add3A_51, %dma_start3A_58] : memref<10112x128xf32, #tpu.memory_space<vmem_shared>> -> memref<80x128xf32, #tpu.memory_space<vmem_shared>>
          %dma_start3A_60 = arith.constant 0 : i32
          %dma_start3A_61 = arith.constant 0 : i32
          %dma_start3A_62 = tpu.memref_slice %arg10[%dma_start3A_60, %dma_start3A_61] : memref<80x128xf32, #tpu.memory_space<vmem>> -> memref<80x128xf32, #tpu.memory_space<vmem>>
          %dma_start3A_63 = arith.constant 0 : i32
          %dma_start3A_64 = tpu.memref_slice %arg11[%add3A_51, %dma_start3A_63] : memref<10112x128xf32, #tpu.memory_space<vmem_shared>> -> memref<80x128xf32, #tpu.memory_space<vmem_shared>>
          tpu.enqueue_dma source(%dma_start3A_64 : memref<80x128xf32, #tpu.memory_space<vmem_shared>>) target(%dma_start3A_62 : memref<80x128xf32, #tpu.memory_space<vmem>>) target_semaphore(%run_scoped3A : memref<!tpu.dma_semaphore, #tpu.memory_space<semaphore_mem>>)
          %dma_wait3A = arith.constant 0 : i32
          %dma_wait3A_65 = arith.constant 0 : i32
          %dma_wait3A_66 = tpu.memref_slice %arg10[%dma_wait3A, %dma_wait3A_65] : memref<80x128xf32, #tpu.memory_space<vmem>> -> memref<80x128xf32, #tpu.memory_space<vmem>>
          %dma_wait3A_67 = arith.constant 0 : i32
          %dma_wait3A_68 = tpu.memref_slice %arg11[%add3A_51, %dma_wait3A_67] : memref<10112x128xf32, #tpu.memory_space<vmem_shared>> -> memref<80x128xf32, #tpu.memory_space<vmem_shared>>
          %dma_wait3A_69 = arith.constant 0 : i32
          %dma_wait3A_70 = arith.constant 0 : i32
          %dma_wait3A_71 = tpu.memref_slice %arg10[%dma_wait3A_69, %dma_wait3A_70] : memref<80x128xf32, #tpu.memory_space<vmem>> -> memref<80x128xf32, #tpu.memory_space<vmem>>
          %dma_wait3A_72 = arith.constant 0 : i32
          %dma_wait3A_73 = tpu.memref_slice %arg11[%add3A_51, %dma_wait3A_72] : memref<10112x128xf32, #tpu.memory_space<vmem_shared>> -> memref<80x128xf32, #tpu.memory_space<vmem_shared>>
          tpu.wait_dma2 semaphore(%run_scoped3A : memref<!tpu.dma_semaphore, #tpu.memory_space<semaphore_mem>>) src(%dma_wait3A_73 : memref<80x128xf32, #tpu.memory_space<vmem_shared>>) dst(%dma_wait3A_71 : memref<80x128xf32, #tpu.memory_space<vmem>>)
          tpu.yield
        }) : () -> ()
        %mul3A_52 = arith.constant 632 : i32
        %mul3A_53 = arith.muli %arg1, %mul3A_52 : i32
        %add3A_54 = arith.addi %mul3A_53, %mul3A_48 : i32
        "tpu.region"() ({
          %run_scoped3A = tpu.sem_alloc : memref<!tpu.dma_semaphore, #tpu.memory_space<semaphore_mem>>
          %dma_start3A = arith.constant 0 : i32
          %dma_start3A_56 = arith.constant 0 : i32
          %dma_start3A_57 = tpu.memref_slice %arg10[%dma_start3A, %dma_start3A_56] : memref<80x128xf32, #tpu.memory_space<vmem>> -> memref<80x128xf32, #tpu.memory_space<vmem>>
          %dma_start3A_58 = arith.constant 0 : i32
          %dma_start3A_59 = tpu.memref_slice %arg7[%add3A_54, %dma_start3A_58] : memref<10112x128xf32, #tpu.memory_space<hbm>> -> memref<80x128xf32, #tpu.memory_space<hbm>>
          %dma_start3A_60 = arith.constant 0 : i32
          %dma_start3A_61 = tpu.memref_slice %arg7[%add3A_54, %dma_start3A_60] : memref<10112x128xf32, #tpu.memory_space<hbm>> -> memref<80x128xf32, #tpu.memory_space<hbm>>
          %dma_start3A_62 = arith.constant 0 : i32
          %dma_start3A_63 = arith.constant 0 : i32
          %dma_start3A_64 = tpu.memref_slice %arg10[%dma_start3A_62, %dma_start3A_63] : memref<80x128xf32, #tpu.memory_space<vmem>> -> memref<80x128xf32, #tpu.memory_space<vmem>>
          tpu.enqueue_dma source(%dma_start3A_64 : memref<80x128xf32, #tpu.memory_space<vmem>>) target(%dma_start3A_61 : memref<80x128xf32, #tpu.memory_space<hbm>>) target_semaphore(%run_scoped3A : memref<!tpu.dma_semaphore, #tpu.memory_space<semaphore_mem>>)
          %dma_wait3A = arith.constant 0 : i32
          %dma_wait3A_65 = arith.constant 0 : i32
          %dma_wait3A_66 = tpu.memref_slice %arg10[%dma_wait3A, %dma_wait3A_65] : memref<80x128xf32, #tpu.memory_space<vmem>> -> memref<80x128xf32, #tpu.memory_space<vmem>>
          %dma_wait3A_67 = arith.constant 0 : i32
          %dma_wait3A_68 = tpu.memref_slice %arg7[%add3A_54, %dma_wait3A_67] : memref<10112x128xf32, #tpu.memory_space<hbm>> -> memref<80x128xf32, #tpu.memory_space<hbm>>
          %dma_wait3A_69 = arith.constant 0 : i32
          %dma_wait3A_70 = tpu.memref_slice %arg7[%add3A_54, %dma_wait3A_69] : memref<10112x128xf32, #tpu.memory_space<hbm>> -> memref<80x128xf32, #tpu.memory_space<hbm>>
          %dma_wait3A_71 = arith.constant 0 : i32
          %dma_wait3A_72 = arith.constant 0 : i32
          %dma_wait3A_73 = tpu.memref_slice %arg10[%dma_wait3A_71, %dma_wait3A_72] : memref<80x128xf32, #tpu.memory_space<vmem>> -> memref<80x128xf32, #tpu.memory_space<vmem>>
          tpu.wait_dma2 semaphore(%run_scoped3A : memref<!tpu.dma_semaphore, #tpu.memory_space<semaphore_mem>>) src(%dma_wait3A_73 : memref<80x128xf32, #tpu.memory_space<vmem>>) dst(%dma_wait3A_70 : memref<80x128xf32, #tpu.memory_space<hbm>>)
          tpu.yield
        }) : () -> ()
        %scan3A_55 = arith.constant 0 : i32
        scf.yield %scan3A_55 : i32
      }
      %scan3A_36 = arith.constant 7 : i32
      %mul3A_37 = arith.constant 632 : i32
      %mul3A_38 = arith.muli %arg1, %mul3A_37 : i32
      %add3A_39 = arith.constant 560 : i32
      %add3A_40 = arith.addi %mul3A_38, %add3A_39 : i32
      "tpu.region"() ({
        %run_scoped3A = tpu.sem_alloc : memref<!tpu.dma_semaphore, #tpu.memory_space<semaphore_mem>>
        %dma_start3A = arith.constant 0 : i32
        %dma_start3A_45 = arith.constant 0 : i32
        %dma_start3A_46 = tpu.memref_slice %arg10[%dma_start3A, %dma_start3A_45] : memref<80x128xf32, #tpu.memory_space<vmem>> -> memref<72x128xf32, #tpu.memory_space<vmem>>
        %dma_start3A_47 = arith.constant 0 : i32
        %dma_start3A_48 = tpu.memref_slice %arg11[%add3A_40, %dma_start3A_47] : memref<10112x128xf32, #tpu.memory_space<vmem_shared>> -> memref<72x128xf32, #tpu.memory_space<vmem_shared>>
        %dma_start3A_49 = arith.constant 0 : i32
        %dma_start3A_50 = arith.constant 0 : i32
        %dma_start3A_51 = tpu.memref_slice %arg10[%dma_start3A_49, %dma_start3A_50] : memref<80x128xf32, #tpu.memory_space<vmem>> -> memref<72x128xf32, #tpu.memory_space<vmem>>
        %dma_start3A_52 = arith.constant 0 : i32
        %dma_start3A_53 = tpu.memref_slice %arg11[%add3A_40, %dma_start3A_52] : memref<10112x128xf32, #tpu.memory_space<vmem_shared>> -> memref<72x128xf32, #tpu.memory_space<vmem_shared>>
        tpu.enqueue_dma source(%dma_start3A_53 : memref<72x128xf32, #tpu.memory_space<vmem_shared>>) target(%dma_start3A_51 : memref<72x128xf32, #tpu.memory_space<vmem>>) target_semaphore(%run_scoped3A : memref<!tpu.dma_semaphore, #tpu.memory_space<semaphore_mem>>)
        %dma_wait3A = arith.constant 0 : i32
        %dma_wait3A_54 = arith.constant 0 : i32
        %dma_wait3A_55 = tpu.memref_slice %arg10[%dma_wait3A, %dma_wait3A_54] : memref<80x128xf32, #tpu.memory_space<vmem>> -> memref<72x128xf32, #tpu.memory_space<vmem>>
        %dma_wait3A_56 = arith.constant 0 : i32
        %dma_wait3A_57 = tpu.memref_slice %arg11[%add3A_40, %dma_wait3A_56] : memref<10112x128xf32, #tpu.memory_space<vmem_shared>> -> memref<72x128xf32, #tpu.memory_space<vmem_shared>>
        %dma_wait3A_58 = arith.constant 0 : i32
        %dma_wait3A_59 = arith.constant 0 : i32
        %dma_wait3A_60 = tpu.memref_slice %arg10[%dma_wait3A_58, %dma_wait3A_59] : memref<80x128xf32, #tpu.memory_space<vmem>> -> memref<72x128xf32, #tpu.memory_space<vmem>>
        %dma_wait3A_61 = arith.constant 0 : i32
        %dma_wait3A_62 = tpu.memref_slice %arg11[%add3A_40, %dma_wait3A_61] : memref<10112x128xf32, #tpu.memory_space<vmem_shared>> -> memref<72x128xf32, #tpu.memory_space<vmem_shared>>
        tpu.wait_dma2 semaphore(%run_scoped3A : memref<!tpu.dma_semaphore, #tpu.memory_space<semaphore_mem>>) src(%dma_wait3A_62 : memref<72x128xf32, #tpu.memory_space<vmem_shared>>) dst(%dma_wait3A_60 : memref<72x128xf32, #tpu.memory_space<vmem>>)
        tpu.yield
      }) : () -> ()
      %mul3A_41 = arith.constant 632 : i32
      %mul3A_42 = arith.muli %arg1, %mul3A_41 : i32
      %add3A_43 = arith.constant 560 : i32
      %add3A_44 = arith.addi %mul3A_42, %add3A_43 : i32
      "tpu.region"() ({
        %run_scoped3A = tpu.sem_alloc : memref<!tpu.dma_semaphore, #tpu.memory_space<semaphore_mem>>
        %dma_start3A = arith.constant 0 : i32
        %dma_start3A_45 = arith.constant 0 : i32
        %dma_start3A_46 = tpu.memref_slice %arg10[%dma_start3A, %dma_start3A_45] : memref<80x128xf32, #tpu.memory_space<vmem>> -> memref<72x128xf32, #tpu.memory_space<vmem>>
        %dma_start3A_47 = arith.constant 0 : i32
        %dma_start3A_48 = tpu.memref_slice %arg7[%add3A_44, %dma_start3A_47] : memref<10112x128xf32, #tpu.memory_space<hbm>> -> memref<72x128xf32, #tpu.memory_space<hbm>>
        %dma_start3A_49 = arith.constant 0 : i32
        %dma_start3A_50 = tpu.memref_slice %arg7[%add3A_44, %dma_start3A_49] : memref<10112x128xf32, #tpu.memory_space<hbm>> -> memref<72x128xf32, #tpu.memory_space<hbm>>
        %dma_start3A_51 = arith.constant 0 : i32
        %dma_start3A_52 = arith.constant 0 : i32
        %dma_start3A_53 = tpu.memref_slice %arg10[%dma_start3A_51, %dma_start3A_52] : memref<80x128xf32, #tpu.memory_space<vmem>> -> memref<72x128xf32, #tpu.memory_space<vmem>>
        tpu.enqueue_dma source(%dma_start3A_53 : memref<72x128xf32, #tpu.memory_space<vmem>>) target(%dma_start3A_50 : memref<72x128xf32, #tpu.memory_space<hbm>>) target_semaphore(%run_scoped3A : memref<!tpu.dma_semaphore, #tpu.memory_space<semaphore_mem>>)
        %dma_wait3A = arith.constant 0 : i32
        %dma_wait3A_54 = arith.constant 0 : i32
        %dma_wait3A_55 = tpu.memref_slice %arg10[%dma_wait3A, %dma_wait3A_54] : memref<80x128xf32, #tpu.memory_space<vmem>> -> memref<72x128xf32, #tpu.memory_space<vmem>>
        %dma_wait3A_56 = arith.constant 0 : i32
        %dma_wait3A_57 = tpu.memref_slice %arg7[%add3A_44, %dma_wait3A_56] : memref<10112x128xf32, #tpu.memory_space<hbm>> -> memref<72x128xf32, #tpu.memory_space<hbm>>
        %dma_wait3A_58 = arith.constant 0 : i32
        %dma_wait3A_59 = tpu.memref_slice %arg7[%add3A_44, %dma_wait3A_58] : memref<10112x128xf32, #tpu.memory_space<hbm>> -> memref<72x128xf32, #tpu.memory_space<hbm>>
        %dma_wait3A_60 = arith.constant 0 : i32
        %dma_wait3A_61 = arith.constant 0 : i32
        %dma_wait3A_62 = tpu.memref_slice %arg10[%dma_wait3A_60, %dma_wait3A_61] : memref<80x128xf32, #tpu.memory_space<vmem>> -> memref<72x128xf32, #tpu.memory_space<vmem>>
        tpu.wait_dma2 semaphore(%run_scoped3A : memref<!tpu.dma_semaphore, #tpu.memory_space<semaphore_mem>>) src(%dma_wait3A_62 : memref<72x128xf32, #tpu.memory_space<vmem>>) dst(%dma_wait3A_59 : memref<72x128xf32, #tpu.memory_space<hbm>>)
        tpu.yield
      }) : () -> ()
    } else {
    }
    return
  }
}

module attributes {stable_mosaic.version = 14 : i64} {
  func.func @_scale_body(%arg0: i32, %arg1: memref<2000x1xf32, #tpu.memory_space<vmem>>, %arg2: memref<2000x1xf32, #tpu.memory_space<vmem>>, %arg3: memref<2000x256xf32, #tpu.memory_space<vmem>>, %arg4: memref<2000x128xf32, #tpu.memory_space<vmem>>, %arg5: memref<2000x128xf32, #tpu.memory_space<vmem>>) attributes {dimension_semantics = [#tpu.dimension_semantics<arbitrary>], iteration_bounds = array<i64: 5>, scalar_prefetch = 0 : i64, scratch_operands = 0 : i64, tpu.core_type = #tpu.core_type<tc>, window_params = [{transform_indices = @transform_0, window_bounds = array<i64: 2000, 1>}, {transform_indices = @transform_1, window_bounds = array<i64: 2000, 1>}, {transform_indices = @transform_2, window_bounds = array<i64: 2000, 256>}, {transform_indices = @transform_3, window_bounds = array<i64: 2000, 128>}, {transform_indices = @transform_4, window_bounds = array<i64: 2000, 128>}]} {
    %get3A = arith.constant 0 : index
    %get3A_0 = arith.constant 0 : index
    %get3A_1 = vector.load %arg1[%get3A, %get3A_0] : memref<2000x1xf32, #tpu.memory_space<vmem>>, vector<2000x1xf32>
    %get3A_2 = arith.constant 0 : index
    %get3A_3 = arith.constant 0 : index
    %get3A_4 = vector.load %arg2[%get3A_2, %get3A_3] : memref<2000x1xf32, #tpu.memory_space<vmem>>, vector<2000x1xf32>
    %add3A = arith.addf %get3A_1, %get3A_4 : vector<2000x1xf32>
    %add3A_5 = arith.constant 1.000000e+00 : f32
    %add3A_6 = vector.broadcast %add3A_5 : f32 to vector<2000x1xf32>
    %add3A_7 = arith.addf %add3A, %add3A_6 : vector<2000x1xf32>
    %rsqrt3A = math.rsqrt %add3A_7 : vector<2000x1xf32>
    %get3A_8 = arith.constant 0 : index
    %get3A_9 = arith.constant 0 : index
    %get3A_10 = vector.load %arg3[%get3A_8, %get3A_9] : memref<2000x256xf32, #tpu.memory_space<vmem>>, vector<2000x256xf32>
    %mul3A = vector.broadcast %rsqrt3A : vector<2000x1xf32> to vector<2000x256xf32>
    %mul3A_11 = arith.mulf %get3A_10, %mul3A : vector<2000x256xf32>
    %slice3A = vector.extract_strided_slice %mul3A_11 {offsets = [0, 0], sizes = [2000, 128], strides = [1, 1]} : vector<2000x256xf32> to vector<2000x128xf32>
    %swap3A = arith.constant 0 : index
    %swap3A_12 = arith.constant 0 : index
    %swap3A_13 = vector.load %arg4[%swap3A, %swap3A_12] : memref<2000x128xf32, #tpu.memory_space<vmem>>, vector<2000x128xf32>
    tpu.vector_store %arg4[%swap3A, %swap3A_12], %slice3A {strides = array<i32>} : memref<2000x128xf32, #tpu.memory_space<vmem>>, vector<2000x128xf32>,
    %slice3A_14 = vector.extract_strided_slice %mul3A_11 {offsets = [0, 128], sizes = [2000, 128], strides = [1, 1]} : vector<2000x256xf32> to vector<2000x128xf32>
    %swap3A_15 = arith.constant 0 : index
    %swap3A_16 = arith.constant 0 : index
    %swap3A_17 = vector.load %arg5[%swap3A_15, %swap3A_16] : memref<2000x128xf32, #tpu.memory_space<vmem>>, vector<2000x128xf32>
    tpu.vector_store %arg5[%swap3A_15, %swap3A_16], %slice3A_14 {strides = array<i32>} : memref<2000x128xf32, #tpu.memory_space<vmem>>, vector<2000x128xf32>,
    return
  }
  func.func @transform_0(%arg0: i32) -> (i32, i32) {
    %c0_i32 = arith.constant 0 : i32
    %c0_i32_0 = arith.constant 0 : i32
    return %arg0, %c0_i32 : i32, i32
  }
  func.func @transform_1(%arg0: i32) -> (i32, i32) {
    %c0_i32 = arith.constant 0 : i32
    %c0_i32_0 = arith.constant 0 : i32
    return %arg0, %c0_i32 : i32, i32
  }
  func.func @transform_2(%arg0: i32) -> (i32, i32) {
    %c0_i32 = arith.constant 0 : i32
    %c0_i32_0 = arith.constant 0 : i32
    return %arg0, %c0_i32 : i32, i32
  }
  func.func @transform_3(%arg0: i32) -> (i32, i32) {
    %c0_i32 = arith.constant 0 : i32
    %c0_i32_0 = arith.constant 0 : i32
    return %arg0, %c0_i32 : i32, i32
  }
  func.func @transform_4(%arg0: i32) -> (i32, i32) {
    %c0_i32 = arith.constant 0 : i32
    %c0_i32_0 = arith.constant 0 : i32
    return %arg0, %c0_i32 : i32, i32
  }
}

module attributes {stable_mosaic.version = 14 : i64} {
  func.func @_final_body(%arg0: i32, %arg1: memref<2000x1xf32, #tpu.memory_space<vmem>>, %arg2: memref<2000x1xf32, #tpu.memory_space<vmem>>, %arg3: memref<2000x256xf32, #tpu.memory_space<vmem>>, %arg4: memref<2000x128xf32, #tpu.memory_space<vmem>>, %arg5: memref<2000x128xf32, #tpu.memory_space<vmem>>, %arg6: memref<2000x256xf32, #tpu.memory_space<vmem>>) attributes {dimension_semantics = [#tpu.dimension_semantics<arbitrary>], iteration_bounds = array<i64: 5>, scalar_prefetch = 0 : i64, scratch_operands = 0 : i64, tpu.core_type = #tpu.core_type<tc>, window_params = [{transform_indices = @transform_0, window_bounds = array<i64: 2000, 1>}, {transform_indices = @transform_1, window_bounds = array<i64: 2000, 1>}, {transform_indices = @transform_2, window_bounds = array<i64: 2000, 256>}, {transform_indices = @transform_3, window_bounds = array<i64: 2000, 128>}, {transform_indices = @transform_4, window_bounds = array<i64: 2000, 128>}, {transform_indices = @transform_5, window_bounds = array<i64: 2000, 256>}]} {
    %get3A = arith.constant 0 : index
    %get3A_0 = arith.constant 0 : index
    %get3A_1 = vector.load %arg1[%get3A, %get3A_0] : memref<2000x1xf32, #tpu.memory_space<vmem>>, vector<2000x1xf32>
    %get3A_2 = arith.constant 0 : index
    %get3A_3 = arith.constant 0 : index
    %get3A_4 = vector.load %arg2[%get3A_2, %get3A_3] : memref<2000x1xf32, #tpu.memory_space<vmem>>, vector<2000x1xf32>
    %add3A = arith.addf %get3A_1, %get3A_4 : vector<2000x1xf32>
    %add3A_5 = arith.constant 1.000000e+00 : f32
    %add3A_6 = vector.broadcast %add3A_5 : f32 to vector<2000x1xf32>
    %add3A_7 = arith.addf %add3A, %add3A_6 : vector<2000x1xf32>
    %rsqrt3A = math.rsqrt %add3A_7 : vector<2000x1xf32>
    %get3A_8 = arith.constant 0 : index
    %get3A_9 = arith.constant 0 : index
    %get3A_10 = vector.load %arg3[%get3A_8, %get3A_9] : memref<2000x256xf32, #tpu.memory_space<vmem>>, vector<2000x256xf32>
    %get3A_11 = arith.constant 0 : index
    %get3A_12 = arith.constant 0 : index
    %get3A_13 = vector.load %arg4[%get3A_11, %get3A_12] : memref<2000x128xf32, #tpu.memory_space<vmem>>, vector<2000x128xf32>
    %get3A_14 = arith.constant 0 : index
    %get3A_15 = arith.constant 0 : index
    %get3A_16 = vector.load %arg5[%get3A_14, %get3A_15] : memref<2000x128xf32, #tpu.memory_space<vmem>>, vector<2000x128xf32>
    %concatenate3A = tpu.concatenate %get3A_13, %get3A_16 in 1 : vector<2000x128xf32>, vector<2000x128xf32> -> vector<2000x256xf32>
    %mul3A = vector.broadcast %rsqrt3A : vector<2000x1xf32> to vector<2000x256xf32>
    %mul3A_17 = arith.mulf %mul3A, %concatenate3A : vector<2000x256xf32>
    %add3A_18 = arith.addf %get3A_10, %mul3A_17 : vector<2000x256xf32>
    %mul3A_19 = arith.mulf %rsqrt3A, %rsqrt3A : vector<2000x1xf32>
    %mul3A_20 = vector.broadcast %mul3A_19 : vector<2000x1xf32> to vector<2000x256xf32>
    %mul3A_21 = arith.mulf %mul3A_20, %get3A_10 : vector<2000x256xf32>
    %add3A_22 = arith.addf %add3A_18, %mul3A_21 : vector<2000x256xf32>
    %mul3A_23 = arith.constant 5.000000e-01 : f32
    %mul3A_24 = vector.broadcast %mul3A_23 : f32 to vector<2000x256xf32>
    %mul3A_25 = arith.mulf %mul3A_24, %add3A_22 : vector<2000x256xf32>
    %swap3A = arith.constant 0 : index
    %swap3A_26 = arith.constant 0 : index
    %swap3A_27 = vector.load %arg6[%swap3A, %swap3A_26] : memref<2000x256xf32, #tpu.memory_space<vmem>>, vector<2000x256xf32>
    tpu.vector_store %arg6[%swap3A, %swap3A_26], %mul3A_25 {strides = array<i32>} : memref<2000x256xf32, #tpu.memory_space<vmem>>, vector<2000x256xf32>,
    return
  }
  func.func @transform_0(%arg0: i32) -> (i32, i32) {
    %c0_i32 = arith.constant 0 : i32
    %c0_i32_0 = arith.constant 0 : i32
    return %arg0, %c0_i32 : i32, i32
  }
  func.func @transform_1(%arg0: i32) -> (i32, i32) {
    %c0_i32 = arith.constant 0 : i32
    %c0_i32_0 = arith.constant 0 : i32
    return %arg0, %c0_i32 : i32, i32
  }
  func.func @transform_2(%arg0: i32) -> (i32, i32) {
    %c0_i32 = arith.constant 0 : i32
    %c0_i32_0 = arith.constant 0 : i32
    return %arg0, %c0_i32 : i32, i32
  }
  func.func @transform_3(%arg0: i32) -> (i32, i32) {
    %c0_i32 = arith.constant 0 : i32
    %c0_i32_0 = arith.constant 0 : i32
    return %arg0, %c0_i32 : i32, i32
  }
  func.func @transform_4(%arg0: i32) -> (i32, i32) {
    %c0_i32 = arith.constant 0 : i32
    %c0_i32_0 = arith.constant 0 : i32
    return %arg0, %c0_i32 : i32, i32
  }
  func.func @transform_5(%arg0: i32) -> (i32, i32) {
    %c0_i32 = arith.constant 0 : i32
    %c0_i32_0 = arith.constant 0 : i32
    return %arg0, %c0_i32 : i32, i32
  }
}

</mosaic_0001>

<sc_bundles>
// kernel: kernel.6.cloned.1.call-start
scs
__scs_entry_jumppad:
0x0: {  	(pc) =	sbr.rel $0x88, $3  }
0x1: {  	(tag) =	ssettag $0x0;
	lr =	simm.s32 $0x1  }
0x2: {  	[smem:$0x3F9F] =	sst lr;
	_ =	strace $0xD0000000  }
0x3: {  	_ = 	snop  }
0x4: {  	_ = 	snop  }
0x5: {  	_ = 	snop  }
0x6: {  	_ = 	snop  }
0x7: {  	_ = 	snop  }
__scs_overlays_trampoline_lowered:
0x8: {  	[smem:$0x3FAE] =	sst s0  }
0x9: {  	[smem:$0x3FAF] =	sst s1  }
0xa: {  	[smem:$0x3FB0] =	sst s2  }
0xb: {  	[smem:$0x3FB1] =	sst s3  }
0xc: {  	[smem:$0x3FB2] =	sst s4  }
0xd: {  	[smem:$0x3FB3] =	sst s5  }
0xe: {  	[smem:$0x3FB4] =	sst s6  }
0xf: {  	[smem:$0x3FB5] =	sst s7  }
0x10: {  	[smem:$0x3FB6] =	sst s8  }
0x11: {  	[smem:$0x3FB7] =	sst s9;
	s0 =	simm.s32 @!p0 $0x0  }
0x12: {  	s1 =	sld [smem:$0x3F9D];
	s0 =	simm.s32 @p0 $0x1  }
0x13: {  	[smem:$0x3FB8] =	sst s0;
	s0 =	simm.s32 @!p1 $0x0  }
0x14: {  	s2 =	sld [smem:$0x3F9C];
	s0 =	simm.s32 @p1 $0x1  }
0x15: {  	[smem:$0x3FB9] =	sst s0;
	s0 =	simm.s32 @!p2 $0x0  }
0x16: {  	s3 =	sld [smem:$0x3FDB];
	s0 =	simm.s32 @p2 $0x1  }
0x17: {  	s4 =	simm.s32 $0x1BF5;
	[smem:$0x3FBB] =	sst s0  }
0x18: {  	s0 =	sld [smem:$0x3F9E];
	_ =	swait.ge [sflag:s4], $0x0  }
0x19: {  	s7 =	sld [smem:$0x3F9F]  }
0x1a: {  	s8 =	sadd.s32 $0xFFFFE003, lr  }
0x1b: {  	s9 =	sadd.s32 $0xFFFFFEF7, lr;
	s5 =	simm.s32 $0xFFFFFFFF;
	p2 =	slt.u32 s8, $0xFFFFF086  }
0x1c: {  	p1 =	slt.u32 s9, $0xF7A;
	s5 =	simm.s32 @!p2 $0x0  }
0x1d: {  	s5 =	simm.s32 @p1 $0x1;
	p0 =	seq.s32 s7, s2  }
0x1e: {  	s7 =	smul.u32 @!p0 $0xF7A, s2;
	p2 =	seq.s32 @!p0 s5, $0x0  }
0x1f: {  	s9 =	smul.u32 $0xF7A, s1;
	s8 =	simm.s32 @!p0 $0x1BF5;
	p2 =	por !p2, p0  }
0x20: {  	[sflag:s8] =	ssyncset.s32 @!p0 $0xFFFFF086;
	s6 =	sadd.s32 @!p0 s3, s7;
	s7 =	simm.s32 @!p0 $0x108  }
0x21: {  	s3 =	sadd.s32 s3, s9;
	s6 =	sadd.s32 @!p0 $0x88, s6;
	s7 =	simm.s32 @p2 $0x1082  }
0x22: {  	[simem:s7], [sflag:s8] =	dma.local @!p0 [hbm:s6], $0xF7A  }
0x23: {  	s9 =	sor.u32 $0xD0000000, s2;
	s6 =	simm.s32 $0x108;
	_ =	swait.ge @!p0 [sflag:s8], $0x0  }
0x24: {  	s3 =	sadd.s32 $0x88, s3;
	s6 =	simm.s32 @!p1 $0x1082;
	[sflag:s4] =	ssyncset.s32 $0xFFFFF086  }
0x25: {  	[simem:s6], [sflag:s4] =	dma.local [hbm:s3], $0xF7A  }
0x26: {  	[smem:$0x3F9F] =	sst s1;
	(tag) =	ssettag s2;
	_ =	strace s9  }
0x27: {  	s1 =	sld [smem:$0x3FAF]  }
0x28: {  	s2 =	sld [smem:$0x3FB0]  }
0x29: {  	s4 =	sld [smem:$0x3FB2]  }
0x2a: {  	p0 =	seq.s32 s5, $0x0;
	s5 =	sld [smem:$0x3FB3]  }
0x2b: {  	s6 =	sld [smem:$0x3FB4]  }
0x2c: {  	s7 =	sld [smem:$0x3FB5]  }
0x2d: {  	s3 =	simm.s32 $0x108;
	s8 =	sld [smem:$0x3FB6]  }
0x2e: {  	s3 =	simm.s32 @!p0 $0x1082;
	s9 =	sld [smem:$0x3FB7]  }
0x2f: {  	lr =	sadd.s32 s0, s3;
	s0 =	sld [smem:$0x3FAE]  }
0x30: {  	s3 =	sld [smem:$0x3FB1]  }
0x31: {  	[smem:$0x3FBA] =	sst s10  }
0x32: {  	s10 =	sld [smem:$0x3FB8];
	_ =	sdelay $0x3  }
0x33: {  	p0 =	seq.s32 s10, $0x1;
	s10 =	sld [smem:$0x3FBA];
	_ =	sdelay $0x3  }
0x34: {  	[smem:$0x3FBA] =	sst s10  }
0x35: {  	s10 =	sld [smem:$0x3FB9];
	_ =	sdelay $0x3  }
0x36: {  	p1 =	seq.s32 s10, $0x1;
	s10 =	sld [smem:$0x3FBA];
	_ =	sdelay $0x3  }
0x37: {  	[smem:$0x3FBA] =	sst s10  }
0x38: {  	s10 =	sld [smem:$0x3FBB]  }
0x39: {  	_ = 	snop;
	(pc) =	sbr.ind lr, $3  }
0x3a: {  	_ = 	snop  }
0x3b: {  	_ = 	snop  }
0x3c: {  	p2 =	seq.s32 s10, $0x1;
	s10 =	sld [smem:$0x3FBA]  }
0x3d: {  	_ =	shalt  }
0x3e: {  	_ =	shalt  }
0x3f: {  	_ =	shalt  }
0x40: {  	_ =	shalt  }
0x41: {  	_ =	shalt  }
0x42: {  	_ =	shalt  }
0x43: {  	_ =	shalt  }
0x44: {  	_ =	shalt  }
0x45: {  	_ =	shalt  }
0x46: {  	_ =	shalt  }
0x47: {  	_ =	shalt  }
0x48: {  	_ =	shalt  }
0x49: {  	_ =	shalt  }
0x4a: {  	_ =	shalt  }
0x4b: {  	_ =	shalt  }
0x4c: {  	_ =	shalt  }
0x4d: {  	_ =	shalt  }
0x4e: {  	_ =	shalt  }
0x4f: {  	_ =	shalt  }
0x50: {  	_ =	shalt  }
0x51: {  	_ =	shalt  }
0x52: {  	_ =	shalt  }
0x53: {  	_ =	shalt  }
0x54: {  	_ =	shalt  }
0x55: {  	_ =	shalt  }
0x56: {  	_ =	shalt  }
0x57: {  	_ =	shalt  }
0x58: {  	_ =	shalt  }
0x59: {  	_ =	shalt  }
0x5a: {  	_ =	shalt  }
0x5b: {  	_ =	shalt  }
0x5c: {  	_ =	shalt  }
0x5d: {  	_ =	shalt  }
0x5e: {  	_ =	shalt  }
0x5f: {  	_ =	shalt  }
0x60: {  	_ =	shalt  }
0x61: {  	_ =	shalt  }
0x62: {  	_ =	shalt  }
0x63: {  	_ =	shalt  }
0x64: {  	_ =	shalt  }
0x65: {  	_ =	shalt  }
0x66: {  	_ =	shalt  }
0x67: {  	_ =	shalt  }
0x68: {  	_ =	shalt  }
0x69: {  	_ =	shalt  }
0x6a: {  	_ =	shalt  }
0x6b: {  	_ =	shalt  }
0x6c: {  	_ =	shalt  }
0x6d: {  	_ =	shalt  }
0x6e: {  	_ =	shalt  }
0x6f: {  	_ =	shalt  }
0x70: {  	_ =	shalt  }
0x71: {  	_ =	shalt  }
0x72: {  	_ =	shalt  }
0x73: {  	_ =	shalt  }
0x74: {  	_ =	shalt  }
0x75: {  	_ =	shalt  }
0x76: {  	_ =	shalt  }
0x77: {  	_ =	shalt  }
0x78: {  	_ =	shalt  }
0x79: {  	_ =	shalt  }
0x7a: {  	_ =	shalt  }
0x7b: {  	_ =	shalt  }
0x7c: {  	_ =	shalt  }
0x7d: {  	_ =	shalt  }
0x7e: {  	_ =	shalt  }
0x7f: {  	_ =	shalt  }
0x80: {  	_ =	shalt  }
0x81: {  	_ =	shalt  }
0x82: {  	_ =	shalt  }
0x83: {  	_ =	shalt  }
0x84: {  	_ =	shalt  }
0x85: {  	_ =	shalt  }
0x86: {  	_ =	shalt  }
0x87: {  	_ =	shalt  }
.Lfunc_end0:
.L_simem_size_0:
called_computation_lowered:
.L_overlay_start_0:
0x88: {  	s2 =	sld [smem:$0x3FD9]  }
0x89: {  	s3 =	sld [smem:$0x3FFE];
	_ =	sdelay $0x1  }
0x8a: {  	s1 =	srdreg.scid  }
0x8b: {  	s0 =	sand.u32 $0x1, s1  }
0x8c: {  	s17 =	sshll.u32 s0, $0xA;
	s2 =	sadd.s32 s3, s2  }
0x8d: {  	s2 =	sadd.s32 s2, s17  }
0x8e: {  	[smem:$0x3FC6] =	sst s2  }
0x8f: {  	_ = 	snop  }
0x90: {  	s2 =	sld [smem:$0x3FD0];
	(tm) =	ssettm $0x1  }
0x91: {  	s18 =	sld [smem:$0x3FFB];
	_ =	sdelay $0x3  }
0x92: {  	_ =	strace s18  }
0x93: {  	s3 =	sld [smem:$0x3FFC];
	_ =	sdelay $0x3  }
0x94: {  	_ =	strace s3  }
0x95: {  	s3 =	sld [smem:$0x3FFD];
	_ =	sdelay $0x3  }
0x96: {  	_ =	strace s3  }
0x97: {  	_ =	strace $0x8FFFFFFF  }
0x98: {  	s19 =	sld [smem:$0x3FDB];
	_ =	sdelay $0x1  }
0x99: {  	s4 =	simm.s32 $_scs_section_size  }
0x9a: {  	s5 =	simm.s32 $_size__tile_overlayer_lowered;
	s6 =	simm.s32 $_tile_overlayer_lowered  }
0x9b: {  	s22 =	simm.s32 $0x1BFF;
	s21 =	sshll.u32 s6, $0x1;
	s3 =	sadd.s32 s4, s19  }
0x9c: {  	s7 =	simm.s32 $0x0;
	s20 =	sshll.u32 s5, $0x1;
	s5 =	sadd.s32 s21, s3  }
0x9d: {  	[timem:s7], [sflag:s22] =	dma.local [hbm:s5], s20  }
0x9e: {  	_ =	swait.ge [sflag:s22], s20  }
0x9f: {  	s4 =	ssub.s32 $0x0, s20;
	[sflag:s22] =	ssyncset.done $0x0  }
0xa0: {  	[sflag:s22] =	ssyncadd.s32 s4;
	_ =	sdelay $0x1  }
0xa1: {  	s23 =	simm.s32 $0x1B8B  }
0xa2: {  	_ =	swait.ge [sflag:s23], $0x1  }
0xa3: {  	[sflag:s23] =	ssyncset.done $0x0  }
0xa4: {  	s25 =	simm.s32 $0x1B8E;
	s24 =	sld [smem:$0x3FFE];
	[sflag:s23] =	ssyncadd.s32 $0xFFFFFFFF  }
0xa5: {  	s26 =	simm.s32 $execute0_lowered;
	[smem:$0x3FD2] =	sst s25  }
0xa6: {  	s5 =	sshll.u32 s26, $0x1;
	_ =	strace $0x80000046;
	[dreg:$0x1] =	wrdreg $0xFFFFFFFF  }
0xa7: {  	s28 =	simm.s32 $_size_execute0_lowered;
	s3 =	sadd.s32 s3, s5;
	[dreg:$0x0] =	wrdreg $0x0  }
0xa8: {  	s5 =	sshll.u32 s28, $0x1;
	[dreg:$0x2] =	wrdreg s3  }
0xa9: {  	[dreg:$0x3] =	wrdreg s5  }
0xaa: {  	[dreg:$0x4] =	wrdreg $0xC0  }
0xab: {  	_ =	task [dreg:s7], $0x5FFFF  }
0xac: {  	[dreg:$0x1] =	wrdreg $0xFFFFFFFF  }
0xad: {  	[dreg:$0x0] =	wrdreg $0x60  }
0xae: {  	[dreg:$0x2] =	wrdreg s2  }
0xaf: {  	[dreg:$0x3] =	wrdreg s24  }
0xb0: {  	[dreg:$0x4] =	wrdreg $0x43000  }
0xb1: {  	[dreg:$0x5] =	wrdreg $0x9  }
0xb2: {  	_ =	task.clear_ibuf [dreg:s7], $0x6FFFF;
	_ =	strace $0x90000046  }
0xb3: {  	s29 =	simm.s32 $0x9;
	_ =	strace $0x80000048  }
0xb4: {  	_ =	swait.ge [sflag:s29], $0x1  }
0xb5: {  	[sflag:s29] =	ssyncadd.s32 $0xFFFFFFFF  }
0xb6: {  	_ =	strace $0x90000048  }
0xb7: {  	_ =	sfence  }
0xb8: {  	s30 =	sld [smem:$0x0];
	_ =	sdelay $0x2  }
0xb9: {  	s31 =	sshll.u32 s1, $0xD;
	s1 =	sshrl.u32 s1, $0x2  }
0xba: {  	s3 =	sand.u32 $0x4000, s31;
	s1 =	sadd.s32 s1, s30  }
0xbb: {  	s0 =	sor.u32 s3, s0;
	s1 =	sshll.u32 s1, $0x11  }
0xbc: {  	s0 =	sor.u32 s1, s0  }
0xbd: {  	s0 =	sadd.s32 $0x8F2B, s0  }
0xbe: {  	[sflag:s0] =	ssyncadd.remote.s32 $0x1  }
0xbf: {  	_ =	sfence.sel $0xFFFF  }
0xc0: {  	[dreg:$0x0] =	wrdreg $0xFFFFFFFF;
	(pc) =	sbr.abs _section_cstart, $3  }
0xc1: {  	[dreg:$0x1] =	wrdreg $0xFFFFFFFF  }
0xc2: {  	_ =	task.clear_ibuf [dreg:s7], $0x2FFFF;
	_ =	strace $0x9FFFFFFF  }
0xc3: {  	(tm) =	ssettm $0x7FFFFFFF  }
tec
execute0_lowered:
.L_overlay_start_1:
0x0: {  	(tag) =	ssettag $0x1  }
0x1: {  	s4 =	rddreg [dreg:$0x0]  }
0x2: {  	s7 =	rddreg [dreg:$0x1]  }
0x3: {  	s0 =	srdreg.scid;
	s1 =	rddreg [dreg:$0x2]  }
0x4: {  	s2 =	simm.s32 $0x0;
	s3 =	stileid.u32;
	s11 =	simm.s32 $0x1200  }
0x5: {  	s12 =	simm.s32 $0x0;
	s5 =	sand.u32 $0x1, s0;
	s0 =	rddreg [dreg:$0x3]  }
0x6: {  	[smem:$0x7FF] =	sst s2;
	s31 =	smul.u32 $0x280, s3;
	s10 =	sshll.u32 s3, $0xB  }
0x7: {  	s6 =	ssub.s32 $0x2, s5;
	_ =	strace $0x80000047;
	s9 =	sshll.u32 s5, $0xF  }
0x8: {  	s10 =	sadd.s32 s4, s10;
	p0 =	seq.s32 s5, $0x1;
	s8 =	sshrl.u32 s6, $0x1  }
0x9: {  	s4 =	sadd.s32 s31, s1;
	s5 =	sadd.s32 s9, s10;
	s11 =	simm.s32 @!p0 $0x1800  }
0xa: {  	s9 =	simm.s32 $0x1;
	s10 =	simm.s32 $0x28;
	s6 =	ssub.s32 s6, s8  }
0xb: {  	s8 =	sshrl.u32 s31, $0x3;
	s7 =	sadd.s32 s11, s7;
	s11 =	simm.s32 $0x4000  }
0xc: {  	v0 =	vimm.f32 $1.000000000e+00;
	v1 =	vimm.f32 $0.0e+00;
	s6 =	smax.u32 s6, $0x1;
	s7 =	sadd.s32 s7, s8;
	s8 =	simm.s32 $0x4080  }
.LBB2_1:
0xd: {  	[tilespmem:$0x4000] =	vst v0  }
0xe: {  	[tilespmem:$0x4010] =	vst v0  }
0xf: {  	[tilespmem:$0x4020] =	vst v0  }
0x10: {  	[tilespmem:$0x4080] =	vst v1  }
0x11: {  	[tilespmem:$0x4090] =	vst v1  }
0x12: {  	[tilespmem:$0x40A0] =	vst v1  }
0x13: {  	[tilespmem:$0x40B0] =	vst v1  }
0x14: {  	[tilespmem:$0x40C0] =	vst v1  }
0x15: {  	[tilespmem:$0x40D0] =	vst v1  }
0x16: {  	[tilespmem:$0x40E0] =	vst v1  }
0x17: {  	[tilespmem:$0x40F0] =	vst v1  }
0x18: {  	[tilespmem:$0x4100] =	vst v1  }
0x19: {  	[tilespmem:$0x4110] =	vst v1  }
0x1a: {  	[tilespmem:$0x4120] =	vst v1  }
0x1b: {  	[tilespmem:$0x4130] =	vst v1  }
0x1c: {  	[tilespmem:$0x4140] =	vst v1  }
0x1d: {  	[tilespmem:$0x4150] =	vst v1  }
0x1e: {  	[tilespmem:$0x4160] =	vst v1  }
0x1f: {  	[tilespmem:$0x4170] =	vst v1  }
0x20: {  	[tilespmem:$0x4180] =	vst v1  }
0x21: {  	[tilespmem:$0x4190] =	vst v1  }
0x22: {  	[tilespmem:$0x41A0] =	vst v1  }
0x23: {  	[tilespmem:$0x41B0] =	vst v1  }
0x24: {  	[tilespmem:$0x41C0] =	vst v1  }
0x25: {  	[tilespmem:$0x41D0] =	vst v1  }
0x26: {  	[tilespmem:$0x41E0] =	vst v1  }
0x27: {  	[tilespmem:$0x41F0] =	vst v1  }
0x28: {  	[tilespmem:$0x4200] =	vst v1  }
0x29: {  	[tilespmem:$0x4210] =	vst v1  }
0x2a: {  	[tilespmem:$0x4220] =	vst v1  }
0x2b: {  	[tilespmem:$0x4230] =	vst v1  }
0x2c: {  	[tilespmem:$0x4240] =	vst v1  }
0x2d: {  	[tilespmem:$0x4250] =	vst v1  }
0x2e: {  	[tilespmem:$0x4260] =	vst v1  }
0x2f: {  	[tilespmem:$0x4270] =	vst v1  }
0x30: {  	[tilespmem:$0x4280] =	vst v1  }
0x31: {  	[tilespmem:$0x4290] =	vst v1  }
0x32: {  	[tilespmem:$0x42A0] =	vst v1  }
0x33: {  	[tilespmem:$0x42B0] =	vst v1  }
0x34: {  	[tilespmem:$0x42C0] =	vst v1  }
0x35: {  	[tilespmem:$0x42D0] =	vst v1  }
0x36: {  	[tilespmem:$0x42E0] =	vst v1  }
0x37: {  	[tilespmem:$0x42F0] =	vst v1  }
0x38: {  	[spmem:s4] =	stream.linear.scatter [tilespmem:s8], [sflag:$0x1], $0x280, $0x38;
	[tilespmem:$0x4580] =	vst v63  }
0x39: {  	_ =	swait.ge [sflag:s9], $0x280  }
0x3a: {  	[sflag:s9] =	ssyncset.done $0x0  }
0x3b: {  	[sflag:s9] =	ssyncadd.s32 $0xFFFFFD80  }
0x3c: {  	[bflag:$0x0] =	sbarrier.arrive $0xFFFF  }
0x3d: {  	[tilespmem:s2], [sflag:$0x1] =	stream.linear.gather [hbm4b:s5+s2], $0x3E80, $0x38;
	[tilespmem:$0x4580] =	vst v63  }
0x3e: {  	_ =	swait.ge [sflag:s9], $0x3E80  }
0x3f: {  	[sflag:s9] =	ssyncset.done $0x0  }
0x40: {  	s13 =	simm.s32 $0x0;
	[sflag:s9] =	ssyncadd.s32 $0xFFFFC180  }
0x41: {  	[spmem:s1] =	stream.indirect.scatter.add.f32 [tilespmem:s11], [sflag:$0x1], $0x1, s13, s10, $0xb8;
	[tilespmem:$0x4580] =	vst v63  }
0x42: {  	_ =	swait.ge [sflag:s9], $0x28  }
0x43: {  	s13 =	simm.s32 $0x200;
	[sflag:s9] =	ssyncset.done $0x0  }
.LBB2_2:
0x44: {  	s14 =	sshra.s32 s13, $0x2;
	[sflag:s9] =	ssyncadd.s32 $0xFFFFFFD8;
	p0 =	sne.s32 s13, $0xF800  }
0x45: {  	[spmem:s1] =	stream.indirect.scatter.add.f32 [tilespmem:s11], [sflag:$0x1], $0x1, s14, s10, $0xb8;
	[tilespmem:$0x4580] =	vst v63  }
.Ltmp0:
0x46: {  	_ = 	snop;
	(pc) =	sbr.rel @p0 .LBB2_2-.Ltmp0, $4  }
0x47: {  	_ = 	snop  }
0x48: {  	s13 =	sadd.s32 $0x200, s13  }
0x49: {  	_ =	swait.ge [sflag:s9], $0x28  }
0x4a: {  	[sflag:s9] =	ssyncset.done $0x0  }
0x4b: {  	[sflag:s9] =	ssyncadd.s32 $0xFFFFFFD8  }
0x4c: {  	[bflag:$0x0] =	sbarrier.arrive $0xFFFF  }
0x4d: {  	[tilespmem:s8], [sflag:$0x1] =	stream.linear.gather [spmem:s4], $0x280, $0x38;
	[tilespmem:$0x4580] =	vst v63  }
0x4e: {  	s12 =	sadd.s32 $0x1, s12;
	_ =	swait.ge [sflag:s9], $0x280  }
0x4f: {  	p0 =	sne.s32 s12, s6;
	[sflag:s9] =	ssyncset.done $0x0  }
.Ltmp1:
0x50: {  	[sflag:s9] =	ssyncadd.s32 $0xFFFFFD80;
	(pc) =	sbr.rel @p0 .LBB2_1-.Ltmp1, $4  }
0x51: {  	[hbm4b:s7+s2] =	stream.linear.scatter [tilespmem:s8], [sflag:$0x1], $0x280, $0x38;
	[tilespmem:$0x4580] =	vst v63  }
0x52: {  	_ =	swait.ge [sflag:s9], $0x280  }
0x53: {  	[sflag:s9] =	ssyncset.done $0x0  }
0x54: {  	[sflag:s9] =	ssyncadd.s32 $0xFFFFFD80  }
0x55: {  	_ =	sfence.sel $0x180000  }
0x56: {  	[bflag:$0x0] =	sbarrier.arrive $0xFFFF  }
0x57: {  	p0 =	sne.s32 s3, $0x0;
	_ =	strace $0x90000047  }
0x58: {  	s0 =	sadd.s32 @!p0 $0x100000, s0;
	[bflag:$0x2] =	sbarrier.arrive $0xFFFF  }
0x59: {  	[sflag:s0] =	ssyncadd.tile.s32 @!p0 $0x1;
	_ =	shalt  }
.Lfunc_end2:
_tile_overlayer_lowered:
.L_overlay_start_2:
0x5a: {  	(tag) =	ssettag $0x2  }
0x5b: {  	s0 =	rddreg [dreg:$0x0];
	s2 =	stileid.u32  }
0x5c: {  	s1 =	rddreg [dreg:$0x1];
	p0 =	sne.s32 s2, $0x0  }
0x5d: {  	s3 =	rddreg [dreg:$0x2];
	[bflag:$0x3] =	sbarrier.arrive $0xFFFF;
	s2 =	simm.s32 @!p0 $0x1C01  }
0x5e: {  	[timem:s3], [sflag:s2] =	dma.local @!p0 [hbm:s0], s1  }
0x5f: {  	s0 =	simm.s32 @!p0 $0x1  }
0x60: {  	_ =	swait.ge @!p0 [sflag:s0], s1  }
0x61: {  	s1 =	ssub.s32 @!p0 $0x0, s1;
	[sflag:s0] =	ssyncset.done @!p0 $0x0  }
0x62: {  	[sflag:s0] =	ssyncadd.s32 @!p0 s1  }
0x63: {  	[bflag:$0x3] =	sbarrier.arrive $0xFFFF  }
0x64: {  	_ =	shalt  }

// kernel: kernel.9.cloned.1.call-start
scs
__scs_entry_jumppad:
0x0: {  	(pc) =	sbr.rel $0x88, $3  }
0x1: {  	(tag) =	ssettag $0x0;
	lr =	simm.s32 $0x1  }
0x2: {  	[smem:$0x3F9F] =	sst lr;
	_ =	strace $0xD0000000  }
0x3: {  	_ = 	snop  }
0x4: {  	_ = 	snop  }
0x5: {  	_ = 	snop  }
0x6: {  	_ = 	snop  }
0x7: {  	_ = 	snop  }
__scs_overlays_trampoline_lowered:
0x8: {  	[smem:$0x3FAE] =	sst s0  }
0x9: {  	[smem:$0x3FAF] =	sst s1  }
0xa: {  	[smem:$0x3FB0] =	sst s2  }
0xb: {  	[smem:$0x3FB1] =	sst s3  }
0xc: {  	[smem:$0x3FB2] =	sst s4  }
0xd: {  	[smem:$0x3FB3] =	sst s5  }
0xe: {  	[smem:$0x3FB4] =	sst s6  }
0xf: {  	[smem:$0x3FB5] =	sst s7  }
0x10: {  	[smem:$0x3FB6] =	sst s8  }
0x11: {  	[smem:$0x3FB7] =	sst s9;
	s0 =	simm.s32 @!p0 $0x0  }
0x12: {  	s1 =	sld [smem:$0x3F9D];
	s0 =	simm.s32 @p0 $0x1  }
0x13: {  	[smem:$0x3FB8] =	sst s0;
	s0 =	simm.s32 @!p1 $0x0  }
0x14: {  	s2 =	sld [smem:$0x3F9C];
	s0 =	simm.s32 @p1 $0x1  }
0x15: {  	[smem:$0x3FB9] =	sst s0;
	s0 =	simm.s32 @!p2 $0x0  }
0x16: {  	s3 =	sld [smem:$0x3FDB];
	s0 =	simm.s32 @p2 $0x1  }
0x17: {  	s4 =	simm.s32 $0x1BF5;
	[smem:$0x3FBB] =	sst s0  }
0x18: {  	s0 =	sld [smem:$0x3F9E];
	_ =	swait.ge [sflag:s4], $0x0  }
0x19: {  	s7 =	sld [smem:$0x3F9F]  }
0x1a: {  	s8 =	sadd.s32 $0xFFFFE003, lr  }
0x1b: {  	s9 =	sadd.s32 $0xFFFFFEF7, lr;
	s5 =	simm.s32 $0xFFFFFFFF;
	p2 =	slt.u32 s8, $0xFFFFF086  }
0x1c: {  	p1 =	slt.u32 s9, $0xF7A;
	s5 =	simm.s32 @!p2 $0x0  }
0x1d: {  	s5 =	simm.s32 @p1 $0x1;
	p0 =	seq.s32 s7, s2  }
0x1e: {  	s7 =	smul.u32 @!p0 $0xF7A, s2;
	p2 =	seq.s32 @!p0 s5, $0x0  }
0x1f: {  	s9 =	smul.u32 $0xF7A, s1;
	s8 =	simm.s32 @!p0 $0x1BF5;
	p2 =	por !p2, p0  }
0x20: {  	[sflag:s8] =	ssyncset.s32 @!p0 $0xFFFFF086;
	s6 =	sadd.s32 @!p0 s3, s7;
	s7 =	simm.s32 @!p0 $0x108  }
0x21: {  	s3 =	sadd.s32 s3, s9;
	s6 =	sadd.s32 @!p0 $0x88, s6;
	s7 =	simm.s32 @p2 $0x1082  }
0x22: {  	[simem:s7], [sflag:s8] =	dma.local @!p0 [hbm:s6], $0xF7A  }
0x23: {  	s9 =	sor.u32 $0xD0000000, s2;
	s6 =	simm.s32 $0x108;
	_ =	swait.ge @!p0 [sflag:s8], $0x0  }
0x24: {  	s3 =	sadd.s32 $0x88, s3;
	s6 =	simm.s32 @!p1 $0x1082;
	[sflag:s4] =	ssyncset.s32 $0xFFFFF086  }
0x25: {  	[simem:s6], [sflag:s4] =	dma.local [hbm:s3], $0xF7A  }
0x26: {  	[smem:$0x3F9F] =	sst s1;
	(tag) =	ssettag s2;
	_ =	strace s9  }
0x27: {  	s1 =	sld [smem:$0x3FAF]  }
0x28: {  	s2 =	sld [smem:$0x3FB0]  }
0x29: {  	s4 =	sld [smem:$0x3FB2]  }
0x2a: {  	p0 =	seq.s32 s5, $0x0;
	s5 =	sld [smem:$0x3FB3]  }
0x2b: {  	s6 =	sld [smem:$0x3FB4]  }
0x2c: {  	s7 =	sld [smem:$0x3FB5]  }
0x2d: {  	s3 =	simm.s32 $0x108;
	s8 =	sld [smem:$0x3FB6]  }
0x2e: {  	s3 =	simm.s32 @!p0 $0x1082;
	s9 =	sld [smem:$0x3FB7]  }
0x2f: {  	lr =	sadd.s32 s0, s3;
	s0 =	sld [smem:$0x3FAE]  }
0x30: {  	s3 =	sld [smem:$0x3FB1]  }
0x31: {  	[smem:$0x3FBA] =	sst s10  }
0x32: {  	s10 =	sld [smem:$0x3FB8];
	_ =	sdelay $0x3  }
0x33: {  	p0 =	seq.s32 s10, $0x1;
	s10 =	sld [smem:$0x3FBA];
	_ =	sdelay $0x3  }
0x34: {  	[smem:$0x3FBA] =	sst s10  }
0x35: {  	s10 =	sld [smem:$0x3FB9];
	_ =	sdelay $0x3  }
0x36: {  	p1 =	seq.s32 s10, $0x1;
	s10 =	sld [smem:$0x3FBA];
	_ =	sdelay $0x3  }
0x37: {  	[smem:$0x3FBA] =	sst s10  }
0x38: {  	s10 =	sld [smem:$0x3FBB]  }
0x39: {  	_ = 	snop;
	(pc) =	sbr.ind lr, $3  }
0x3a: {  	_ = 	snop  }
0x3b: {  	_ = 	snop  }
0x3c: {  	p2 =	seq.s32 s10, $0x1;
	s10 =	sld [smem:$0x3FBA]  }
0x3d: {  	_ =	shalt  }
0x3e: {  	_ =	shalt  }
0x3f: {  	_ =	shalt  }
0x40: {  	_ =	shalt  }
0x41: {  	_ =	shalt  }
0x42: {  	_ =	shalt  }
0x43: {  	_ =	shalt  }
0x44: {  	_ =	shalt  }
0x45: {  	_ =	shalt  }
0x46: {  	_ =	shalt  }
0x47: {  	_ =	shalt  }
0x48: {  	_ =	shalt  }
0x49: {  	_ =	shalt  }
0x4a: {  	_ =	shalt  }
0x4b: {  	_ =	shalt  }
0x4c: {  	_ =	shalt  }
0x4d: {  	_ =	shalt  }
0x4e: {  	_ =	shalt  }
0x4f: {  	_ =	shalt  }
0x50: {  	_ =	shalt  }
0x51: {  	_ =	shalt  }
0x52: {  	_ =	shalt  }
0x53: {  	_ =	shalt  }
0x54: {  	_ =	shalt  }
0x55: {  	_ =	shalt  }
0x56: {  	_ =	shalt  }
0x57: {  	_ =	shalt  }
0x58: {  	_ =	shalt  }
0x59: {  	_ =	shalt  }
0x5a: {  	_ =	shalt  }
0x5b: {  	_ =	shalt  }
0x5c: {  	_ =	shalt  }
0x5d: {  	_ =	shalt  }
0x5e: {  	_ =	shalt  }
0x5f: {  	_ =	shalt  }
0x60: {  	_ =	shalt  }
0x61: {  	_ =	shalt  }
0x62: {  	_ =	shalt  }
0x63: {  	_ =	shalt  }
0x64: {  	_ =	shalt  }
0x65: {  	_ =	shalt  }
0x66: {  	_ =	shalt  }
0x67: {  	_ =	shalt  }
0x68: {  	_ =	shalt  }
0x69: {  	_ =	shalt  }
0x6a: {  	_ =	shalt  }
0x6b: {  	_ =	shalt  }
0x6c: {  	_ =	shalt  }
0x6d: {  	_ =	shalt  }
0x6e: {  	_ =	shalt  }
0x6f: {  	_ =	shalt  }
0x70: {  	_ =	shalt  }
0x71: {  	_ =	shalt  }
0x72: {  	_ =	shalt  }
0x73: {  	_ =	shalt  }
0x74: {  	_ =	shalt  }
0x75: {  	_ =	shalt  }
0x76: {  	_ =	shalt  }
0x77: {  	_ =	shalt  }
0x78: {  	_ =	shalt  }
0x79: {  	_ =	shalt  }
0x7a: {  	_ =	shalt  }
0x7b: {  	_ =	shalt  }
0x7c: {  	_ =	shalt  }
0x7d: {  	_ =	shalt  }
0x7e: {  	_ =	shalt  }
0x7f: {  	_ =	shalt  }
0x80: {  	_ =	shalt  }
0x81: {  	_ =	shalt  }
0x82: {  	_ =	shalt  }
0x83: {  	_ =	shalt  }
0x84: {  	_ =	shalt  }
0x85: {  	_ =	shalt  }
0x86: {  	_ =	shalt  }
0x87: {  	_ =	shalt  }
.Lfunc_end0:
.L_simem_size_0:
called_computation.1_lowered:
.L_overlay_start_0:
0x88: {  	s2 =	sld [smem:$0x3FD9]  }
0x89: {  	s3 =	sld [smem:$0x3FFE];
	_ =	sdelay $0x1  }
0x8a: {  	s1 =	srdreg.scid  }
0x8b: {  	s0 =	sand.u32 $0x1, s1  }
0x8c: {  	s17 =	sshll.u32 s0, $0xA;
	s2 =	sadd.s32 s3, s2  }
0x8d: {  	s2 =	sadd.s32 s2, s17  }
0x8e: {  	[smem:$0x3FC6] =	sst s2  }
0x8f: {  	_ = 	snop  }
0x90: {  	s2 =	sld [smem:$0x3FD0];
	(tm) =	ssettm $0x1  }
0x91: {  	s18 =	sld [smem:$0x3FFB];
	_ =	sdelay $0x3  }
0x92: {  	_ =	strace s18  }
0x93: {  	s3 =	sld [smem:$0x3FFC];
	_ =	sdelay $0x3  }
0x94: {  	_ =	strace s3  }
0x95: {  	s3 =	sld [smem:$0x3FFD];
	_ =	sdelay $0x3  }
0x96: {  	_ =	strace s3  }
0x97: {  	_ =	strace $0x8FFFFFFF  }
0x98: {  	s19 =	sld [smem:$0x3FDB];
	_ =	sdelay $0x1  }
0x99: {  	s4 =	simm.s32 $_scs_section_size  }
0x9a: {  	s5 =	simm.s32 $_size__tile_overlayer_lowered;
	s6 =	simm.s32 $_tile_overlayer_lowered  }
0x9b: {  	s22 =	simm.s32 $0x1BFF;
	s21 =	sshll.u32 s6, $0x1;
	s3 =	sadd.s32 s4, s19  }
0x9c: {  	s7 =	simm.s32 $0x0;
	s20 =	sshll.u32 s5, $0x1;
	s5 =	sadd.s32 s21, s3  }
0x9d: {  	[timem:s7], [sflag:s22] =	dma.local [hbm:s5], s20  }
0x9e: {  	_ =	swait.ge [sflag:s22], s20  }
0x9f: {  	s4 =	ssub.s32 $0x0, s20;
	[sflag:s22] =	ssyncset.done $0x0  }
0xa0: {  	[sflag:s22] =	ssyncadd.s32 s4;
	_ =	sdelay $0x1  }
0xa1: {  	s23 =	simm.s32 $0x1B8B  }
0xa2: {  	_ =	swait.ge [sflag:s23], $0x1  }
0xa3: {  	[sflag:s23] =	ssyncset.done $0x0  }
0xa4: {  	s25 =	simm.s32 $0x1B8E;
	s24 =	sld [smem:$0x3FFE];
	[sflag:s23] =	ssyncadd.s32 $0xFFFFFFFF  }
0xa5: {  	s26 =	simm.s32 $execute0_lowered;
	[smem:$0x3FD2] =	sst s25  }
0xa6: {  	s5 =	sshll.u32 s26, $0x1;
	_ =	strace $0x80000049;
	[dreg:$0x1] =	wrdreg $0xFFFFFFFF  }
0xa7: {  	s28 =	simm.s32 $_size_execute0_lowered;
	s3 =	sadd.s32 s3, s5;
	[dreg:$0x0] =	wrdreg $0x0  }
0xa8: {  	s5 =	sshll.u32 s28, $0x1;
	[dreg:$0x2] =	wrdreg s3  }
0xa9: {  	[dreg:$0x3] =	wrdreg s5  }
0xaa: {  	[dreg:$0x4] =	wrdreg $0xC0  }
0xab: {  	_ =	task [dreg:s7], $0x5FFFF  }
0xac: {  	[dreg:$0x1] =	wrdreg $0xFFFFFFFF  }
0xad: {  	[dreg:$0x0] =	wrdreg $0x60  }
0xae: {  	[dreg:$0x2] =	wrdreg s24  }
0xaf: {  	[dreg:$0x3] =	wrdreg s2  }
0xb0: {  	[dreg:$0x4] =	wrdreg $0xA8000  }
0xb1: {  	[dreg:$0x5] =	wrdreg $0x9  }
0xb2: {  	_ =	task.clear_ibuf [dreg:s7], $0x6FFFF;
	_ =	strace $0x90000049  }
0xb3: {  	s29 =	simm.s32 $0x9;
	_ =	strace $0x8000004B  }
0xb4: {  	_ =	swait.ge [sflag:s29], $0x1  }
0xb5: {  	[sflag:s29] =	ssyncadd.s32 $0xFFFFFFFF  }
0xb6: {  	_ =	strace $0x9000004B  }
0xb7: {  	_ =	sfence  }
0xb8: {  	s30 =	sld [smem:$0x0];
	_ =	sdelay $0x2  }
0xb9: {  	s31 =	sshll.u32 s1, $0xD;
	s1 =	sshrl.u32 s1, $0x2  }
0xba: {  	s3 =	sand.u32 $0x4000, s31;
	s1 =	sadd.s32 s1, s30  }
0xbb: {  	s0 =	sor.u32 s3, s0;
	s1 =	sshll.u32 s1, $0x11  }
0xbc: {  	s0 =	sor.u32 s1, s0  }
0xbd: {  	s0 =	sadd.s32 $0x8F2B, s0  }
0xbe: {  	[sflag:s0] =	ssyncadd.remote.s32 $0x1  }
0xbf: {  	_ =	sfence.sel $0xFFFF  }
0xc0: {  	[dreg:$0x0] =	wrdreg $0xFFFFFFFF;
	(pc) =	sbr.abs _section_cstart, $3  }
0xc1: {  	[dreg:$0x1] =	wrdreg $0xFFFFFFFF  }
0xc2: {  	_ =	task.clear_ibuf [dreg:s7], $0x2FFFF;
	_ =	strace $0x9FFFFFFF  }
0xc3: {  	(tm) =	ssettm $0x7FFFFFFF  }
tec
execute0_lowered:
.L_overlay_start_1:
0x0: {  	(tag) =	ssettag $0x1  }
0x1: {  	s0 =	rddreg [dreg:$0x0]  }
0x2: {  	s3 =	rddreg [dreg:$0x2];
	s4 =	simm.s32 $0x0;
	s9 =	stileid.u32  }
0x3: {  	s2 =	srdreg.scid;
	s28 =	simm.s32 $0x8000;
	s29 =	simm.s32 $0x2  }
0x4: {  	s31 =	simm.s32 $0x50;
	[smem:$0x7FF] =	sst s4;
	s1 =	sshll.u32 s9, $0xB  }
0x5: {  	s2 =	sand.u32 $0x1, s2;
	s7 =	smul.u32 $0x278, s9;
	s5 =	sadd.s32 $0x11E00, s0  }
0x6: {  	s6 =	sadd.s32 $0x39000, s0;
	s12 =	smul.u32 $0x4F000, s9;
	_ =	strace $0x8000004A  }
0x7: {  	s1 =	sadd.s32 s1, s0;
	s8 =	ssub.s32 $0x2, s2;
	s0 =	sadd.s32 $0x60200, s0  }
0x8: {  	p0 =	seq.s32 s2, $0x1;
	s2 =	simm.s32 $0x0;
	[dreg:$0x4] =	wrdreg s0  }
0x9: {  	s20 =	sshrl.u32 s8, $0x1;
	s11 =	sadd.s32 $0x230, s7;
	s10 =	sadd.s32 $0x9E00, s1  }
0xa: {  	s22 =	sshrl.u32 s12, $0x2;
	s23 =	sadd.s32 $0x50, s7;
	s25 =	sadd.s32 $0xA0, s7  }
0xb: {  	s30 =	sadd.s32 $0x140, s7;
	s0 =	ssub.s32 s8, s20;
	s21 =	sshll.u32 s11, $0x7  }
0xc: {  	[dreg:$0x5] =	wrdreg s10;
	s10 =	sadd.s32 $0x1E00, s1;
	s11 =	sshll.u32 s11, $0x4  }
0xd: {  	s13 =	sadd.s32 s22, s3;
	s24 =	sshll.u32 s23, $0x7;
	s22 =	sadd.s32 $0xF0, s7  }
0xe: {  	s26 =	sshll.u32 s25, $0x7;
	s17 =	sshll.u32 s30, $0x7;
	s20 =	sshll.u32 s23, $0x4  }
0xf: {  	s23 =	sshll.u32 s30, $0x4;
	s8 =	sadd.s32 s21, s3;
	s12 =	smax.u32 s0, $0x1  }
0x10: {  	s14 =	sadd.s32 s24, s3;
	s16 =	sshll.u32 s22, $0x7;
	s15 =	sadd.s32 s26, s3  }
.Ltmp0:
0x11: {  	s24 =	sadd.s32 $0x190, s7;
	s7 =	sadd.s32 $0x1E0, s7;
	(pc) =	sbr.rel .LBB2_1-.Ltmp0, $4  }
0x12: {  	s17 =	sadd.s32 s17, s3;
	s21 =	sshll.u32 s25, $0x4;
	s22 =	sshll.u32 s22, $0x4  }
0x13: {  	s26 =	smul.u32 $0x2780, s9;
	s0 =	simm.s32 $0x1;
	s16 =	sadd.s32 s16, s3  }
0x14: {  	s18 =	sshll.u32 s24, $0x7;
	s19 =	sshll.u32 s7, $0x7;
	s24 =	sshll.u32 s24, $0x4  }
0x15: {  	v0 =	vimm.f32 $0.0e+00;
	s25 =	sshll.u32 s7, $0x4;
	s18 =	sadd.s32 s18, s3;
	s19 =	sadd.s32 s19, s3  }
.LBB2_6:
0x16: {  	s1 =	sshra.s32 s1, $0x2;
	[sflag:s29] =	ssyncadd.s32 $0xFFFFD800  }
0x17: {  	[tilespmem:s28], [sflag:$0x1] =	stream.indirect.gather [hbm4b:s5+s31], $0x80, s1, s31, $0xb8;
	[tilespmem:$0x1E400] =	vst v63  }
0x18: {  	_ =	swait.ge [sflag:s0], $0x2800  }
0x19: {  	[sflag:s0] =	ssyncset.done $0x0  }
0x1a: {  	s1 =	sadd.s32 $0x4000, s1;
	[sflag:s0] =	ssyncadd.s32 $0xFFFFD800  }
0x1b: {  	[spmem:s3] =	stream.indirect.scatter.add.f32 [tilespmem:s28], [sflag:$0x2], $0x80, s1, s31, $0xb8;
	[tilespmem:$0x1E400] =	vst v63  }
0x1c: {  	_ =	swait.ge [sflag:s29], $0x2800  }
0x1d: {  	[sflag:s29] =	ssyncset.done $0x0  }
0x1e: {  	[sflag:s29] =	ssyncadd.s32 $0xFFFFD800  }
0x1f: {  	s1 =	rddreg [dreg:$0x1]  }
.LBB2_10:
0x20: {  	[bflag:$0x0] =	sbarrier.arrive $0xFFFF  }
0x21: {  	[tilespmem:s28], [sflag:$0x2] =	stream.linear.gather [spmem:s13], $0x2800, $0x38;
	[tilespmem:$0x1E400] =	vst v63  }
0x22: {  	_ =	swait.ge [sflag:s29], $0x2800  }
0x23: {  	[sflag:s29] =	ssyncset.done $0x0  }
0x24: {  	s7 =	sadd.s32 s1, s26;
	[sflag:s29] =	ssyncadd.s32 $0xFFFFD800  }
0x25: {  	[hbm4b:s7+s4] =	stream.linear.scatter [tilespmem:s28], [sflag:$0x2], $0x2800, $0x38;
	[tilespmem:$0x1E400] =	vst v63  }
0x26: {  	_ =	swait.ge [sflag:s29], $0x2800  }
0x27: {  	[sflag:s29] =	ssyncset.done $0x0  }
0x28: {  	[sflag:s29] =	ssyncadd.s32 $0xFFFFD800  }
0x29: {  	[tilespmem:s28], [sflag:$0x2] =	stream.linear.gather [spmem:s14], $0x2800, $0x38;
	[tilespmem:$0x1E400] =	vst v63  }
0x2a: {  	_ =	swait.ge [sflag:s29], $0x2800  }
0x2b: {  	[sflag:s29] =	ssyncset.done $0x0  }
0x2c: {  	s30 =	sadd.s32 s1, s20;
	[sflag:s29] =	ssyncadd.s32 $0xFFFFD800  }
0x2d: {  	[hbm4b:s30+s4] =	stream.linear.scatter [tilespmem:s28], [sflag:$0x2], $0x2800, $0x38;
	[tilespmem:$0x1E400] =	vst v63  }
0x2e: {  	_ =	swait.ge [sflag:s29], $0x2800  }
0x2f: {  	[sflag:s29] =	ssyncset.done $0x0  }
0x30: {  	[sflag:s29] =	ssyncadd.s32 $0xFFFFD800  }
0x31: {  	[tilespmem:s28], [sflag:$0x2] =	stream.linear.gather [spmem:s15], $0x2800, $0x38;
	[tilespmem:$0x1E400] =	vst v63  }
0x32: {  	_ =	swait.ge [sflag:s29], $0x2800  }
0x33: {  	[sflag:s29] =	ssyncset.done $0x0  }
0x34: {  	s9 =	sadd.s32 s1, s21;
	[sflag:s29] =	ssyncadd.s32 $0xFFFFD800  }
0x35: {  	[hbm4b:s9+s4] =	stream.linear.scatter [tilespmem:s28], [sflag:$0x2], $0x2800, $0x38;
	[tilespmem:$0x1E400] =	vst v63  }
0x36: {  	_ =	swait.ge [sflag:s29], $0x2800  }
0x37: {  	[sflag:s29] =	ssyncset.done $0x0  }
0x38: {  	[sflag:s29] =	ssyncadd.s32 $0xFFFFD800  }
0x39: {  	[tilespmem:s28], [sflag:$0x2] =	stream.linear.gather [spmem:s16], $0x2800, $0x38;
	[tilespmem:$0x1E400] =	vst v63  }
0x3a: {  	_ =	swait.ge [sflag:s29], $0x2800  }
0x3b: {  	[sflag:s29] =	ssyncset.done $0x0  }
0x3c: {  	s30 =	sadd.s32 s1, s22;
	[sflag:s29] =	ssyncadd.s32 $0xFFFFD800  }
0x3d: {  	[hbm4b:s30+s4] =	stream.linear.scatter [tilespmem:s28], [sflag:$0x2], $0x2800, $0x38;
	[tilespmem:$0x1E400] =	vst v63  }
0x3e: {  	_ =	swait.ge [sflag:s29], $0x2800  }
0x3f: {  	[sflag:s29] =	ssyncset.done $0x0  }
0x40: {  	[sflag:s29] =	ssyncadd.s32 $0xFFFFD800  }
0x41: {  	[tilespmem:s28], [sflag:$0x2] =	stream.linear.gather [spmem:s17], $0x2800, $0x38;
	[tilespmem:$0x1E400] =	vst v63  }
0x42: {  	_ =	swait.ge [sflag:s29], $0x2800  }
0x43: {  	[sflag:s29] =	ssyncset.done $0x0  }
0x44: {  	s9 =	sadd.s32 s1, s23;
	[sflag:s29] =	ssyncadd.s32 $0xFFFFD800  }
0x45: {  	[hbm4b:s9+s4] =	stream.linear.scatter [tilespmem:s28], [sflag:$0x2], $0x2800, $0x38;
	[tilespmem:$0x1E400] =	vst v63  }
0x46: {  	_ =	swait.ge [sflag:s29], $0x2800  }
0x47: {  	[sflag:s29] =	ssyncset.done $0x0  }
0x48: {  	[sflag:s29] =	ssyncadd.s32 $0xFFFFD800  }
0x49: {  	[tilespmem:s28], [sflag:$0x2] =	stream.linear.gather [spmem:s18], $0x2800, $0x38;
	[tilespmem:$0x1E400] =	vst v63  }
0x4a: {  	_ =	swait.ge [sflag:s29], $0x2800  }
0x4b: {  	[sflag:s29] =	ssyncset.done $0x0  }
0x4c: {  	s30 =	sadd.s32 s1, s24;
	[sflag:s29] =	ssyncadd.s32 $0xFFFFD800  }
0x4d: {  	[hbm4b:s30+s4] =	stream.linear.scatter [tilespmem:s28], [sflag:$0x2], $0x2800, $0x38;
	[tilespmem:$0x1E400] =	vst v63  }
0x4e: {  	_ =	swait.ge [sflag:s29], $0x2800  }
0x4f: {  	[sflag:s29] =	ssyncset.done $0x0  }
0x50: {  	[sflag:s29] =	ssyncadd.s32 $0xFFFFD800  }
0x51: {  	[tilespmem:s28], [sflag:$0x2] =	stream.linear.gather [spmem:s19], $0x2800, $0x38;
	[tilespmem:$0x1E400] =	vst v63  }
0x52: {  	_ =	swait.ge [sflag:s29], $0x2800  }
0x53: {  	[sflag:s29] =	ssyncset.done $0x0  }
0x54: {  	s9 =	sadd.s32 s1, s25;
	[sflag:s29] =	ssyncadd.s32 $0xFFFFD800  }
0x55: {  	[hbm4b:s9+s4] =	stream.linear.scatter [tilespmem:s28], [sflag:$0x2], $0x2800, $0x38;
	[tilespmem:$0x1E400] =	vst v63  }
0x56: {  	_ =	swait.ge [sflag:s29], $0x2800  }
0x57: {  	[sflag:s29] =	ssyncset.done $0x0  }
0x58: {  	[sflag:s29] =	ssyncadd.s32 $0xFFFFD800  }
0x59: {  	[tilespmem:s28], [sflag:$0x2] =	stream.linear.gather [spmem:s8], $0x2400, $0x38;
	[tilespmem:$0x1E400] =	vst v63  }
0x5a: {  	s2 =	sadd.s32 $0x1, s2;
	_ =	swait.ge [sflag:s29], $0x2400  }
0x5b: {  	p1 =	sne.s32 s2, s12;
	[sflag:s29] =	ssyncset.done $0x0  }
.Ltmp1:
0x5c: {  	s30 =	sadd.s32 s1, s11;
	[sflag:s29] =	ssyncadd.s32 $0xFFFFDC00;
	(pc) =	sbr.rel @!p1 .LBB2_11-.Ltmp1, $4  }
0x5d: {  	[hbm4b:s30+s4] =	stream.linear.scatter [tilespmem:s28], [sflag:$0x2], $0x2400, $0x38;
	[tilespmem:$0x1E400] =	vst v63  }
0x5e: {  	_ =	swait.ge [sflag:s29], $0x2400  }
0x5f: {  	[sflag:s29] =	ssyncset.done $0x0  }
0x60: {  	[sflag:s29] =	ssyncadd.s32 $0xFFFFDC00  }
.LBB2_1:
0x61: {  	s1 =	simm.s32 $0x70;
	s7 =	simm.s32 $0x3C0  }
.LBB2_2:
0x62: {  	p1 =	sne.s32 s7, $0x9FC0;
	[tilespmem:s1+$0x8000] =	vst v0  }
0x63: {  	[tilespmem:s1+$0x7F90] =	vst v0  }
0x64: {  	[tilespmem:s1+$0x7FA0] =	vst v0  }
.Ltmp2:
0x65: {  	[tilespmem:s1+$0x7FB0] =	vst v0;
	(pc) =	sbr.rel @p1 .LBB2_2-.Ltmp2, $4  }
0x66: {  	[tilespmem:s1+$0x7FC0] =	vst v0  }
0x67: {  	[tilespmem:s1+$0x7FD0] =	vst v0  }
0x68: {  	[tilespmem:s1+$0x7FE0] =	vst v0  }
0x69: {  	[tilespmem:s1+$0x7FF0] =	vst v0;
	s1 =	sshra.s32 s7, $0x2;
	s7 =	sadd.s32 $0x200, s7  }
0x6a: {  	[tilespmem:s1+$0x8000] =	vst v0  }
0x6b: {  	[tilespmem:s1+$0x7F90] =	vst v0  }
0x6c: {  	[tilespmem:s1+$0x7FA0] =	vst v0  }
0x6d: {  	[tilespmem:s1+$0x7FB0] =	vst v0  }
0x6e: {  	[tilespmem:s1+$0x7FC0] =	vst v0  }
0x6f: {  	[tilespmem:s1+$0x7FD0] =	vst v0  }
0x70: {  	[tilespmem:s1+$0x7FE0] =	vst v0  }
0x71: {  	[tilespmem:s1+$0x7FF0] =	vst v0  }
0x72: {  	[spmem:s13] =	stream.linear.scatter [tilespmem:s28], [sflag:$0x2], $0x2800, $0x38;
	[tilespmem:$0x1E400] =	vst v63  }
0x73: {  	_ =	swait.ge [sflag:s29], $0x2800  }
0x74: {  	[sflag:s29] =	ssyncset.done $0x0  }
0x75: {  	[sflag:s29] =	ssyncadd.s32 $0xFFFFD800  }
0x76: {  	[spmem:s14] =	stream.linear.scatter [tilespmem:s28], [sflag:$0x2], $0x2800, $0x38;
	[tilespmem:$0x1E400] =	vst v63  }
0x77: {  	_ =	swait.ge [sflag:s29], $0x2800  }
0x78: {  	[sflag:s29] =	ssyncset.done $0x0  }
0x79: {  	[sflag:s29] =	ssyncadd.s32 $0xFFFFD800  }
0x7a: {  	[spmem:s15] =	stream.linear.scatter [tilespmem:s28], [sflag:$0x2], $0x2800, $0x38;
	[tilespmem:$0x1E400] =	vst v63  }
0x7b: {  	_ =	swait.ge [sflag:s29], $0x2800  }
0x7c: {  	[sflag:s29] =	ssyncset.done $0x0  }
0x7d: {  	[sflag:s29] =	ssyncadd.s32 $0xFFFFD800  }
0x7e: {  	[spmem:s16] =	stream.linear.scatter [tilespmem:s28], [sflag:$0x2], $0x2800, $0x38;
	[tilespmem:$0x1E400] =	vst v63  }
0x7f: {  	_ =	swait.ge [sflag:s29], $0x2800  }
0x80: {  	[sflag:s29] =	ssyncset.done $0x0  }
0x81: {  	[sflag:s29] =	ssyncadd.s32 $0xFFFFD800  }
0x82: {  	[spmem:s17] =	stream.linear.scatter [tilespmem:s28], [sflag:$0x2], $0x2800, $0x38;
	[tilespmem:$0x1E400] =	vst v63  }
0x83: {  	_ =	swait.ge [sflag:s29], $0x2800  }
0x84: {  	[sflag:s29] =	ssyncset.done $0x0  }
0x85: {  	[sflag:s29] =	ssyncadd.s32 $0xFFFFD800  }
0x86: {  	[spmem:s18] =	stream.linear.scatter [tilespmem:s28], [sflag:$0x2], $0x2800, $0x38;
	[tilespmem:$0x1E400] =	vst v63  }
0x87: {  	_ =	swait.ge [sflag:s29], $0x2800  }
0x88: {  	[sflag:s29] =	ssyncset.done $0x0  }
0x89: {  	[sflag:s29] =	ssyncadd.s32 $0xFFFFD800  }
0x8a: {  	[spmem:s19] =	stream.linear.scatter [tilespmem:s28], [sflag:$0x2], $0x2800, $0x38;
	[tilespmem:$0x1E400] =	vst v63  }
0x8b: {  	_ =	swait.ge [sflag:s29], $0x2800  }
0x8c: {  	[sflag:s29] =	ssyncset.done $0x0  }
0x8d: {  	[sflag:s29] =	ssyncadd.s32 $0xFFFFD800  }
0x8e: {  	[spmem:s8] =	stream.linear.scatter [tilespmem:s28], [sflag:$0x2], $0x2400, $0x38;
	[tilespmem:$0x1E400] =	vst v63  }
0x8f: {  	_ =	swait.ge [sflag:s29], $0x2400  }
0x90: {  	[sflag:s29] =	ssyncset.done $0x0  }
0x91: {  	[sflag:s29] =	ssyncadd.s32 $0xFFFFDC00  }
0x92: {  	[bflag:$0x0] =	sbarrier.arrive $0xFFFF  }
0x93: {  	s9 =	simm.s32 $0x0;
	s7 =	rddreg [dreg:$0x5]  }
0x94: {  	[tilespmem:s9], [sflag:$0x2] =	stream.linear.gather [hbm4b:s7+s9], $0x3E80, $0x38;
	[tilespmem:$0x1E400] =	vst v63  }
0x95: {  	_ =	swait.ge [sflag:s29], $0x3E80  }
0x96: {  	[sflag:s29] =	ssyncset.done $0x0  }
.Ltmp3:
0x97: {  	s30 =	simm.s32 $0x4000;
	[sflag:s29] =	ssyncadd.s32 $0xFFFFC180;
	(pc) =	sbr.rel @!p0 .LBB2_4-.Ltmp3, $4  }
0x98: {  	[tilespmem:s30], [sflag:$0x2] =	stream.linear.gather [hbm4b:s10+s9], $0x3E80, $0x38;
	[tilespmem:$0x1E400] =	vst v63  }
0x99: {  	_ =	swait.ge [sflag:s29], $0x3E80  }
0x9a: {  	[sflag:s29] =	ssyncset.done $0x0  }
0x9b: {  	s1 =	simm.s32 $0x0;
	[sflag:s29] =	ssyncadd.s32 $0xFFFFC180  }
0x9c: {  	[tilespmem:s28], [sflag:$0x1] =	stream.indirect.gather [hbm4b:s6+s31], $0x80, s1, s31, $0xb8;
	[tilespmem:$0x1E400] =	vst v63  }
0x9d: {  	_ =	swait.ge [sflag:s0], $0x2800  }
0x9e: {  	[sflag:s0] =	ssyncset.done $0x0  }
0x9f: {  	s30 =	simm.s32 $0x4000;
	[sflag:s0] =	ssyncadd.s32 $0xFFFFD800  }
0xa0: {  	[spmem:s3] =	stream.indirect.scatter.add.f32 [tilespmem:s28], [sflag:$0x2], $0x80, s30, s31, $0xb8;
	[tilespmem:$0x1E400] =	vst v63  }
0xa1: {  	_ =	swait.ge [sflag:s29], $0x2800  }
0xa2: {  	s1 =	simm.s32 $0x200;
	s7 =	simm.s32 $0x400;
	[sflag:s29] =	ssyncset.done $0x0  }
.LBB2_8:
0xa3: {  	s9 =	sshra.s32 s1, $0x2  }
0xa4: {  	[sflag:s29] =	ssyncadd.s32 $0xFFFFD800;
	s1 =	smov.u32 s7;
	s30 =	sadd.s32 $0x200, s7  }
0xa5: {  	[tilespmem:s28], [sflag:$0x1] =	stream.indirect.gather [hbm4b:s6+s31], $0x80, s9, s31, $0xb8;
	[tilespmem:$0x1E400] =	vst v63  }
0xa6: {  	p1 =	sne.s32 s7, $0xF800;
	_ =	swait.ge [sflag:s0], $0x2800  }
.Ltmp4:
0xa7: {  	[sflag:s0] =	ssyncset.done $0x0;
	(pc) =	sbr.rel @p1 .LBB2_8-.Ltmp4, $4  }
0xa8: {  	s7 =	sadd.s32 $0x4000, s9;
	[sflag:s0] =	ssyncadd.s32 $0xFFFFD800  }
0xa9: {  	[spmem:s3] =	stream.indirect.scatter.add.f32 [tilespmem:s28], [sflag:$0x2], $0x80, s7, s31, $0xb8;
	[tilespmem:$0x1E400] =	vst v63  }
0xaa: {  	_ =	swait.ge [sflag:s29], $0x2800  }
0xab: {  	s7 =	smov.u32 s30;
	[sflag:s29] =	ssyncset.done $0x0  }
0xac: {  	s1 =	sshra.s32 s1, $0x2;
	[sflag:s29] =	ssyncadd.s32 $0xFFFFD800  }
0xad: {  	[tilespmem:s28], [sflag:$0x1] =	stream.indirect.gather [hbm4b:s6+s31], $0x80, s1, s31, $0xb8;
	[tilespmem:$0x1E400] =	vst v63  }
0xae: {  	_ =	swait.ge [sflag:s0], $0x2800  }
0xaf: {  	[sflag:s0] =	ssyncset.done $0x0  }
.Ltmp5:
0xb0: {  	s1 =	sadd.s32 $0x4000, s1;
	[sflag:s0] =	ssyncadd.s32 $0xFFFFD800;
	(pc) =	sbr.rel .LBB2_10-.Ltmp5, $4  }
0xb1: {  	[spmem:s3] =	stream.indirect.scatter.add.f32 [tilespmem:s28], [sflag:$0x2], $0x80, s1, s31, $0xb8;
	[tilespmem:$0x1E400] =	vst v63  }
0xb2: {  	_ =	swait.ge [sflag:s29], $0x2800  }
0xb3: {  	[sflag:s29] =	ssyncset.done $0x0  }
0xb4: {  	s1 =	rddreg [dreg:$0x4];
	[sflag:s29] =	ssyncadd.s32 $0xFFFFD800  }
.LBB2_4:
0xb5: {  	[tilespmem:s28], [sflag:$0x1] =	stream.indirect.gather [hbm4b:s5+s31], $0x80, s1, s31, $0xb8;
	[tilespmem:$0x1E400] =	vst v63  }
0xb6: {  	_ =	swait.ge [sflag:s0], $0x2800  }
0xb7: {  	[sflag:s0] =	ssyncset.done $0x0  }
0xb8: {  	s30 =	simm.s32 $0x4000;
	[sflag:s0] =	ssyncadd.s32 $0xFFFFD800  }
0xb9: {  	[spmem:s3] =	stream.indirect.scatter.add.f32 [tilespmem:s28], [sflag:$0x2], $0x80, s30, s31, $0xb8;
	[tilespmem:$0x1E400] =	vst v63  }
0xba: {  	_ =	swait.ge [sflag:s29], $0x2800  }
0xbb: {  	s1 =	simm.s32 $0x200;
	s7 =	simm.s32 $0x400;
	[sflag:s29] =	ssyncset.done $0x0  }
.LBB2_5:
0xbc: {  	s30 =	sshra.s32 s1, $0x2  }
0xbd: {  	[sflag:s29] =	ssyncadd.s32 $0xFFFFD800;
	s1 =	smov.u32 s7;
	s9 =	sadd.s32 $0x200, s7  }
0xbe: {  	[tilespmem:s28], [sflag:$0x1] =	stream.indirect.gather [hbm4b:s5+s31], $0x80, s30, s31, $0xb8;
	[tilespmem:$0x1E400] =	vst v63  }
0xbf: {  	p1 =	seq.s32 s7, $0xF800;
	_ =	swait.ge [sflag:s0], $0x2800  }
.Ltmp6:
0xc0: {  	[sflag:s0] =	ssyncset.done $0x0;
	(pc) =	sbr.rel @!p1 .LBB2_5-.Ltmp6, $4  }
0xc1: {  	s7 =	sadd.s32 $0x4000, s30;
	[sflag:s0] =	ssyncadd.s32 $0xFFFFD800  }
0xc2: {  	[spmem:s3] =	stream.indirect.scatter.add.f32 [tilespmem:s28], [sflag:$0x2], $0x80, s7, s31, $0xb8;
	[tilespmem:$0x1E400] =	vst v63  }
0xc3: {  	_ =	swait.ge [sflag:s29], $0x2800  }
0xc4: {  	s7 =	smov.u32 s9;
	[sflag:s29] =	ssyncset.done $0x0  }
.Ltmp7:
0xc5: {  	_ = 	snop;
	(pc) =	sbr.rel .LBB2_6-.Ltmp7, $1  }
0xc6: {  	_ =	sdelay $0x3  }
.LBB2_11:
0xc7: {  	_ =	sfence.sel $0x180000  }
0xc8: {  	[bflag:$0x0] =	sbarrier.arrive $0xFFFF  }
0xc9: {  	_ =	strace $0x9000004A  }
0xca: {  	s0 =	stileid.u32;
	[bflag:$0x2] =	sbarrier.arrive $0xFFFF  }
0xcb: {  	p0 =	sne.s32 s0, $0x0;
	s0 =	rddreg [dreg:$0x3]  }
0xcc: {  	s0 =	sadd.s32 @!p0 $0x100000, s0  }
0xcd: {  	[sflag:s0] =	ssyncadd.tile.s32 @!p0 $0x1;
	_ =	shalt  }
.Lfunc_end2:
_tile_overlayer_lowered:
.L_overlay_start_2:
0xce: {  	(tag) =	ssettag $0x2  }
0xcf: {  	s0 =	rddreg [dreg:$0x0];
	s2 =	stileid.u32  }
0xd0: {  	s1 =	rddreg [dreg:$0x1];
	p0 =	sne.s32 s2, $0x0  }
0xd1: {  	s3 =	rddreg [dreg:$0x2];
	[bflag:$0x3] =	sbarrier.arrive $0xFFFF;
	s2 =	simm.s32 @!p0 $0x1C02  }
0xd2: {  	[timem:s3], [sflag:s2] =	dma.local @!p0 [hbm:s0], s1  }
0xd3: {  	s0 =	simm.s32 @!p0 $0x2  }
0xd4: {  	_ =	swait.ge @!p0 [sflag:s0], s1  }
0xd5: {  	s1 =	ssub.s32 @!p0 $0x0, s1;
	[sflag:s0] =	ssyncset.done @!p0 $0x0  }
0xd6: {  	[sflag:s0] =	ssyncadd.s32 @!p0 s1  }
0xd7: {  	[bflag:$0x3] =	sbarrier.arrive $0xFFFF  }
0xd8: {  	_ =	shalt  }

</sc_bundles>
